<compile_context>
chip_gen: v7x
topology: tpu7x:2x2x1
jax: 0.10.2.dev20260603
libtpu: 0.0.44.dev20260713+nightly
codegen_flags: <defaults>
</compile_context>

<pallas_src>
import functools

import jax
import jax.numpy as jnp
from jax import lax
from jax.experimental import pallas as pl
from jax.experimental.pallas import tpu as pltpu
from jax.experimental.pallas import tpu_sc as plsc

NBUF = 10
LOOKAHEAD = 6


@functools.lru_cache(maxsize=None)
def _make_gather(B, V, D):
    info = plsc.get_sparse_core_info()
    NC, NS = info.num_cores, info.num_subcores
    NW = NC * NS
    assert B % NW == 0
    b_per_w = B // NW
    CH = 64
    assert b_per_w % (NBUF * CH) == 0
    n_ch = b_per_w // CH
    n_grp = n_ch // NBUF
    mesh = plsc.VectorSubcoreMesh(core_axis_name="c", subcore_axis_name="s")

    @functools.partial(
        pl.kernel,
        mesh=mesh,
        out_type=jax.ShapeDtypeStruct((B, D), jnp.float32),
        scratch_types=[
            pltpu.VMEM((b_per_w,), jnp.int32),
            pltpu.VMEM((NBUF, CH, D), jnp.float32),
            pltpu.VMEM_SHARED((V, D), jnp.float32),
            [pltpu.SemaphoreType.DMA] * NBUF,
            [pltpu.SemaphoreType.DMA] * NBUF,
            pltpu.SemaphoreType.DMA,
        ],
    )
    def k(idx_hbm, table_hbm, out_hbm, idx_v, rows_v, table_sp, gsem, wsem,
          tsem):
        s = lax.axis_index("s")
        wid = s * NC + lax.axis_index("c")
        base = wid * b_per_w

        full = ((V + NS - 1) // NS + 7) // 8 * 8
        rem = V - (NS - 1) * full
        assert 0 < rem <= full and (NS - 1) * full % 8 == 0

        @pl.when(s < NS - 1)
        def _():
            pltpu.make_async_copy(
                table_hbm.at[pl.ds(s * full, full)],
                table_sp.at[pl.ds(s * full, full)], tsem,
            ).start()

        @pl.when(s == NS - 1)
        def _():
            pltpu.make_async_copy(
                table_hbm.at[pl.ds((NS - 1) * full, rem)],
                table_sp.at[pl.ds((NS - 1) * full, rem)], tsem,
            ).start()

        pltpu.sync_copy(idx_hbm.at[pl.ds(base, b_per_w)], idx_v)

        @pl.when(s < NS - 1)
        def _():
            pltpu.make_async_copy(
                table_hbm.at[pl.ds(0, full)], table_sp.at[pl.ds(0, full)],
                tsem,
            ).wait()

        @pl.when(s == NS - 1)
        def _():
            pltpu.make_async_copy(
                table_hbm.at[pl.ds(0, rem)], table_sp.at[pl.ds(0, rem)], tsem,
            ).wait()

        plsc.subcore_barrier()

        def gather(c, j):
            return pltpu.make_async_copy(
                table_sp.at[idx_v.at[pl.ds(c * CH, CH)]], rows_v.at[j], gsem[j]
            )

        def write(c, j):
            return pltpu.make_async_copy(
                rows_v.at[j], out_hbm.at[pl.ds(base + c * CH, CH)], wsem[j]
            )

        for j in range(LOOKAHEAD):
            gather(j, j).start()

        def body(g, carry):
            c0 = NBUF * g
            for j in range(NBUF):
                c = c0 + j
                gather(c, j).wait()
                write(c, j).start()
                nxt = (j + LOOKAHEAD) % NBUF

                @pl.when(c + LOOKAHEAD < n_ch)
                def _(c=c, nxt=nxt):
                    @pl.when(c >= NBUF - LOOKAHEAD)
                    def _():
                        write(c + LOOKAHEAD - NBUF, nxt).wait()

                    gather(c + LOOKAHEAD, nxt).start()

            return carry

        lax.fori_loop(0, n_grp, body, 0)
        for j in range(NBUF):
            write(n_ch - NBUF + j, j).wait()

    return k


def kernel(x, table):
    b, t = x.shape
    flat = x.reshape(b * t).astype(jnp.int32)
    out = _make_gather(b * t, table.shape[0], table.shape[1])(flat, table)
    return out.reshape(b, t, table.shape[1])

# --- scband reference (transcript-rebuilt; emitter-appended) ---
"""Pipeline reference for scband-dnaembedding-34729105555757 (READ-ONLY COPY).

The authoritative reference and input builder live on the scoring server;
editing this copy changes nothing except your own understanding.
"""

import jax, jax.numpy as jnp
import numpy as np

VOCAB = 1000
D_MODEL = 128

def setup_inputs(seed: int = 0) -> dict:
    key = jax.random.key(seed)
    k1, k2 = jax.random.split(key)
    x = jax.random.randint(k1, (4096, 200), 0, VOCAB, dtype=jnp.int64 if jax.config.jax_enable_x64 else jnp.int32)
    table = jax.random.normal(k2, (VOCAB, D_MODEL), dtype=jnp.float32)
    return {"x": x, "table": table}

def reference(x, table):
    # nn.Embedding forward: gather rows of the table by token index
    return jnp.take(table, x, axis=0)

if __name__ == "__main__":
    import jax
    _d = setup_inputs()
    print(jax.jit(kernel)(*tuple(_d.values())))

</pallas_src>

<mosaic_0001>
#map = affine_map<(d0, d1) -> (0)>
#map1 = affine_map<(d0, d1) -> (0, 0)>
module attributes {stable_mosaic.version = 14 : i64} {
  func.func @k(%arg0: i32, %arg1: i32, %arg2: memref<819200xi32, #tpu.memory_space<hbm>>, %arg3: memref<1000x128xf32, #tpu.memory_space<hbm>>, %arg4: memref<819200x128xf32, #tpu.memory_space<hbm>>, %arg5: memref<25600xi32, #tpu.memory_space<vmem>>, %arg6: memref<10x64x128xf32, #tpu.memory_space<vmem>>, %arg7: memref<1000x128xf32, #tpu.memory_space<vmem_shared>>, %arg8: memref<!tpu.dma_semaphore, #tpu.memory_space<semaphore_mem>>, %arg9: memref<!tpu.dma_semaphore, #tpu.memory_space<semaphore_mem>>, %arg10: memref<!tpu.dma_semaphore, #tpu.memory_space<semaphore_mem>>, %arg11: memref<!tpu.dma_semaphore, #tpu.memory_space<semaphore_mem>>, %arg12: memref<!tpu.dma_semaphore, #tpu.memory_space<semaphore_mem>>, %arg13: memref<!tpu.dma_semaphore, #tpu.memory_space<semaphore_mem>>, %arg14: memref<!tpu.dma_semaphore, #tpu.memory_space<semaphore_mem>>, %arg15: memref<!tpu.dma_semaphore, #tpu.memory_space<semaphore_mem>>, %arg16: memref<!tpu.dma_semaphore, #tpu.memory_space<semaphore_mem>>, %arg17: memref<!tpu.dma_semaphore, #tpu.memory_space<semaphore_mem>>, %arg18: memref<!tpu.dma_semaphore, #tpu.memory_space<semaphore_mem>>, %arg19: memref<!tpu.dma_semaphore, #tpu.memory_space<semaphore_mem>>, %arg20: memref<!tpu.dma_semaphore, #tpu.memory_space<semaphore_mem>>, %arg21: memref<!tpu.dma_semaphore, #tpu.memory_space<semaphore_mem>>, %arg22: memref<!tpu.dma_semaphore, #tpu.memory_space<semaphore_mem>>, %arg23: memref<!tpu.dma_semaphore, #tpu.memory_space<semaphore_mem>>, %arg24: memref<!tpu.dma_semaphore, #tpu.memory_space<semaphore_mem>>, %arg25: memref<!tpu.dma_semaphore, #tpu.memory_space<semaphore_mem>>, %arg26: memref<!tpu.dma_semaphore, #tpu.memory_space<semaphore_mem>>, %arg27: memref<!tpu.dma_semaphore, #tpu.memory_space<semaphore_mem>>, %arg28: memref<!tpu.dma_semaphore, #tpu.memory_space<semaphore_mem>>) attributes {dimension_semantics = [#tpu.dimension_semantics<core_parallel>, #tpu.dimension_semantics<subcore_parallel>], iteration_bounds = array<i64: 2, 16>, scalar_prefetch = 0 : i64, scratch_operands = 24 : i64, tpu.core_type = #tpu.core_type<sc_vector_subcore>, window_params = [{transform_indices = #map}, {transform_indices = #map1}, {transform_indices = #map1}]} {
    %mul3A = arith.constant 2 : i32
    %mul3A_0 = arith.muli %arg1, %mul3A : i32
    %add3A = arith.addi %mul3A_0, %arg0 : i32
    %mul3A_1 = arith.constant 25600 : i32
    %mul3A_2 = arith.muli %add3A, %mul3A_1 : i32
    %lt3A = arith.constant 15 : i32
    %lt3A_3 = arith.cmpi slt, %arg1, %lt3A : i32
    %convert_element_type3A = arith.extui %lt3A_3 : i1 to i32
    %cond3A = arith.constant 0 : i32
    %cond3A_4 = arith.cmpi ne, %convert_element_type3A, %cond3A : i32
    scf.if %cond3A_4 {
      %mul3A_232 = arith.constant 64 : i32
      %mul3A_233 = arith.muli %arg1, %mul3A_232 : i32
      %mul3A_234 = arith.constant 64 : i32
      %mul3A_235 = arith.muli %arg1, %mul3A_234 : i32
      %dma_start3A_236 = arith.constant 0 : i32
      %dma_start3A_237 = tpu.memref_slice %arg7[%mul3A_235, %dma_start3A_236] : memref<1000x128xf32, #tpu.memory_space<vmem_shared>> -> memref<64x128xf32, #tpu.memory_space<vmem_shared>>
      %dma_start3A_238 = arith.constant 0 : i32
      %dma_start3A_239 = tpu.memref_slice %arg3[%mul3A_233, %dma_start3A_238] : memref<1000x128xf32, #tpu.memory_space<hbm>> -> memref<64x128xf32, #tpu.memory_space<hbm>>
      tpu.enqueue_dma source(%dma_start3A_239 : memref<64x128xf32, #tpu.memory_space<hbm>>) target(%dma_start3A_237 : memref<64x128xf32, #tpu.memory_space<vmem_shared>>) target_semaphore(%arg28 : memref<!tpu.dma_semaphore, #tpu.memory_space<semaphore_mem>>)
    } else {
    }
    %eq3A = arith.constant 15 : i32
    %eq3A_5 = arith.cmpi eq, %arg1, %eq3A : i32
    %convert_element_type3A_6 = arith.extui %eq3A_5 : i1 to i32
    %cond3A_7 = arith.constant 0 : i32
    %cond3A_8 = arith.cmpi ne, %convert_element_type3A_6, %cond3A_7 : i32
    scf.if %cond3A_8 {
      %dma_start3A_232 = arith.constant 960 : i32
      %dma_start3A_233 = arith.constant 0 : i32
      %dma_start3A_234 = tpu.memref_slice %arg7[%dma_start3A_232, %dma_start3A_233] : memref<1000x128xf32, #tpu.memory_space<vmem_shared>> -> memref<40x128xf32, #tpu.memory_space<vmem_shared>>
      %dma_start3A_235 = arith.constant 960 : i32
      %dma_start3A_236 = arith.constant 0 : i32
      %dma_start3A_237 = tpu.memref_slice %arg3[%dma_start3A_235, %dma_start3A_236] : memref<1000x128xf32, #tpu.memory_space<hbm>> -> memref<40x128xf32, #tpu.memory_space<hbm>>
      tpu.enqueue_dma source(%dma_start3A_237 : memref<40x128xf32, #tpu.memory_space<hbm>>) target(%dma_start3A_234 : memref<40x128xf32, #tpu.memory_space<vmem_shared>>) target_semaphore(%arg28 : memref<!tpu.dma_semaphore, #tpu.memory_space<semaphore_mem>>)
    } else {
    }
    "tpu.region"() ({
      %run_scoped3A = tpu.sem_alloc : memref<!tpu.dma_semaphore, #tpu.memory_space<semaphore_mem>>
      %dma_start3A_232 = tpu.memref_slice %arg2[%mul3A_2] : memref<819200xi32, #tpu.memory_space<hbm>> -> memref<25600xi32, #tpu.memory_space<hbm>>
      %dma_start3A_233 = tpu.memref_slice %arg2[%mul3A_2] : memref<819200xi32, #tpu.memory_space<hbm>> -> memref<25600xi32, #tpu.memory_space<hbm>>
      tpu.enqueue_dma source(%dma_start3A_233 : memref<25600xi32, #tpu.memory_space<hbm>>) target(%arg5 : memref<25600xi32, #tpu.memory_space<vmem>>) target_semaphore(%run_scoped3A : memref<!tpu.dma_semaphore, #tpu.memory_space<semaphore_mem>>)
      %dma_wait3A_234 = tpu.memref_slice %arg2[%mul3A_2] : memref<819200xi32, #tpu.memory_space<hbm>> -> memref<25600xi32, #tpu.memory_space<hbm>>
      %dma_wait3A_235 = tpu.memref_slice %arg2[%mul3A_2] : memref<819200xi32, #tpu.memory_space<hbm>> -> memref<25600xi32, #tpu.memory_space<hbm>>
      tpu.wait_dma2 semaphore(%run_scoped3A : memref<!tpu.dma_semaphore, #tpu.memory_space<semaphore_mem>>) src(%dma_wait3A_235 : memref<25600xi32, #tpu.memory_space<hbm>>) dst(%arg5 : memref<25600xi32, #tpu.memory_space<vmem>>)
      tpu.yield
    }) : () -> ()
    %lt3A_9 = arith.constant 15 : i32
    %lt3A_10 = arith.cmpi slt, %arg1, %lt3A_9 : i32
    %convert_element_type3A_11 = arith.extui %lt3A_10 : i1 to i32
    %cond3A_12 = arith.constant 0 : i32
    %cond3A_13 = arith.cmpi ne, %convert_element_type3A_11, %cond3A_12 : i32
    scf.if %cond3A_13 {
      %dma_wait3A_232 = arith.constant 0 : i32
      %dma_wait3A_233 = arith.constant 0 : i32
      %dma_wait3A_234 = tpu.memref_slice %arg7[%dma_wait3A_232, %dma_wait3A_233] : memref<1000x128xf32, #tpu.memory_space<vmem_shared>> -> memref<64x128xf32, #tpu.memory_space<vmem_shared>>
      %dma_wait3A_235 = arith.constant 0 : i32
      %dma_wait3A_236 = arith.constant 0 : i32
      %dma_wait3A_237 = tpu.memref_slice %arg3[%dma_wait3A_235, %dma_wait3A_236] : memref<1000x128xf32, #tpu.memory_space<hbm>> -> memref<64x128xf32, #tpu.memory_space<hbm>>
      tpu.wait_dma2 semaphore(%arg28 : memref<!tpu.dma_semaphore, #tpu.memory_space<semaphore_mem>>) src(%dma_wait3A_237 : memref<64x128xf32, #tpu.memory_space<hbm>>) dst(%dma_wait3A_234 : memref<64x128xf32, #tpu.memory_space<vmem_shared>>)
    } else {
    }
    %eq3A_14 = arith.constant 15 : i32
    %eq3A_15 = arith.cmpi eq, %arg1, %eq3A_14 : i32
    %convert_element_type3A_16 = arith.extui %eq3A_15 : i1 to i32
    %cond3A_17 = arith.constant 0 : i32
    %cond3A_18 = arith.cmpi ne, %convert_element_type3A_16, %cond3A_17 : i32
    scf.if %cond3A_18 {
      %dma_wait3A_232 = arith.constant 0 : i32
      %dma_wait3A_233 = arith.constant 0 : i32
      %dma_wait3A_234 = tpu.memref_slice %arg7[%dma_wait3A_232, %dma_wait3A_233] : memref<1000x128xf32, #tpu.memory_space<vmem_shared>> -> memref<40x128xf32, #tpu.memory_space<vmem_shared>>
      %dma_wait3A_235 = arith.constant 0 : i32
      %dma_wait3A_236 = arith.constant 0 : i32
      %dma_wait3A_237 = tpu.memref_slice %arg3[%dma_wait3A_235, %dma_wait3A_236] : memref<1000x128xf32, #tpu.memory_space<hbm>> -> memref<40x128xf32, #tpu.memory_space<hbm>>
      tpu.wait_dma2 semaphore(%arg28 : memref<!tpu.dma_semaphore, #tpu.memory_space<semaphore_mem>>) src(%dma_wait3A_237 : memref<40x128xf32, #tpu.memory_space<hbm>>) dst(%dma_wait3A_234 : memref<40x128xf32, #tpu.memory_space<vmem_shared>>)
    } else {
    }
    %barrier3A = arith.constant 0 : index
    tpu.barrier barrier_id(%barrier3A)
    %dma_start3A = arith.constant 0 : i32
    %dma_start3A_19 = arith.constant 0 : i32
    %dma_start3A_20 = arith.constant 0 : i32
    %dma_start3A_21 = tpu.memref_slice %arg6[%dma_start3A, %dma_start3A_19, %dma_start3A_20] : memref<10x64x128xf32, #tpu.memory_space<vmem>> -> memref<1x64x128xf32, #tpu.memory_space<vmem>>
    %dma_start3A_22 = tpu.memref_squeeze %dma_start3A_21 : memref<1x64x128xf32, #tpu.memory_space<vmem>> -> memref<64x128xf32, #tpu.memory_space<vmem>>
    %dma_start3A_23 = arith.constant 0 : i32
    %dma_start3A_24 = tpu.memref_slice %arg5[%dma_start3A_23] : memref<25600xi32, #tpu.memory_space<vmem>> -> memref<64xi32, #tpu.memory_space<vmem>>
    %dma_start3A_25 = arith.constant 0 : i32
    %dma_start3A_26 = arith.constant 0 : i32
    %dma_start3A_27 = tpu.memref_slice %arg7[%dma_start3A_25, %dma_start3A_26] : memref<1000x128xf32, #tpu.memory_space<vmem_shared>> -> memref<1000x128xf32, #tpu.memory_space<vmem_shared>>
    tpu.enqueue_indirect_dma source(%dma_start3A_27 : memref<1000x128xf32, #tpu.memory_space<vmem_shared>>) target(%dma_start3A_22 : memref<64x128xf32, #tpu.memory_space<vmem>>) offsets(%dma_start3A_24 : memref<64xi32, #tpu.memory_space<vmem>>) semaphore(%arg8 : memref<!tpu.dma_semaphore, #tpu.memory_space<semaphore_mem>>)
    %dma_start3A_28 = arith.constant 1 : i32
    %dma_start3A_29 = arith.constant 0 : i32
    %dma_start3A_30 = arith.constant 0 : i32
    %dma_start3A_31 = tpu.memref_slice %arg6[%dma_start3A_28, %dma_start3A_29, %dma_start3A_30] : memref<10x64x128xf32, #tpu.memory_space<vmem>> -> memref<1x64x128xf32, #tpu.memory_space<vmem>>
    %dma_start3A_32 = tpu.memref_squeeze %dma_start3A_31 : memref<1x64x128xf32, #tpu.memory_space<vmem>> -> memref<64x128xf32, #tpu.memory_space<vmem>>
    %dma_start3A_33 = arith.constant 64 : i32
    %dma_start3A_34 = tpu.memref_slice %arg5[%dma_start3A_33] : memref<25600xi32, #tpu.memory_space<vmem>> -> memref<64xi32, #tpu.memory_space<vmem>>
    %dma_start3A_35 = arith.constant 0 : i32
    %dma_start3A_36 = arith.constant 0 : i32
    %dma_start3A_37 = tpu.memref_slice %arg7[%dma_start3A_35, %dma_start3A_36] : memref<1000x128xf32, #tpu.memory_space<vmem_shared>> -> memref<1000x128xf32, #tpu.memory_space<vmem_shared>>
    tpu.enqueue_indirect_dma source(%dma_start3A_37 : memref<1000x128xf32, #tpu.memory_space<vmem_shared>>) target(%dma_start3A_32 : memref<64x128xf32, #tpu.memory_space<vmem>>) offsets(%dma_start3A_34 : memref<64xi32, #tpu.memory_space<vmem>>) semaphore(%arg9 : memref<!tpu.dma_semaphore, #tpu.memory_space<semaphore_mem>>)
    %dma_start3A_38 = arith.constant 2 : i32
    %dma_start3A_39 = arith.constant 0 : i32
    %dma_start3A_40 = arith.constant 0 : i32
    %dma_start3A_41 = tpu.memref_slice %arg6[%dma_start3A_38, %dma_start3A_39, %dma_start3A_40] : memref<10x64x128xf32, #tpu.memory_space<vmem>> -> memref<1x64x128xf32, #tpu.memory_space<vmem>>
    %dma_start3A_42 = tpu.memref_squeeze %dma_start3A_41 : memref<1x64x128xf32, #tpu.memory_space<vmem>> -> memref<64x128xf32, #tpu.memory_space<vmem>>
    %dma_start3A_43 = arith.constant 128 : i32
    %dma_start3A_44 = tpu.memref_slice %arg5[%dma_start3A_43] : memref<25600xi32, #tpu.memory_space<vmem>> -> memref<64xi32, #tpu.memory_space<vmem>>
    %dma_start3A_45 = arith.constant 0 : i32
    %dma_start3A_46 = arith.constant 0 : i32
    %dma_start3A_47 = tpu.memref_slice %arg7[%dma_start3A_45, %dma_start3A_46] : memref<1000x128xf32, #tpu.memory_space<vmem_shared>> -> memref<1000x128xf32, #tpu.memory_space<vmem_shared>>
    tpu.enqueue_indirect_dma source(%dma_start3A_47 : memref<1000x128xf32, #tpu.memory_space<vmem_shared>>) target(%dma_start3A_42 : memref<64x128xf32, #tpu.memory_space<vmem>>) offsets(%dma_start3A_44 : memref<64xi32, #tpu.memory_space<vmem>>) semaphore(%arg10 : memref<!tpu.dma_semaphore, #tpu.memory_space<semaphore_mem>>)
    %dma_start3A_48 = arith.constant 3 : i32
    %dma_start3A_49 = arith.constant 0 : i32
    %dma_start3A_50 = arith.constant 0 : i32
    %dma_start3A_51 = tpu.memref_slice %arg6[%dma_start3A_48, %dma_start3A_49, %dma_start3A_50] : memref<10x64x128xf32, #tpu.memory_space<vmem>> -> memref<1x64x128xf32, #tpu.memory_space<vmem>>
    %dma_start3A_52 = tpu.memref_squeeze %dma_start3A_51 : memref<1x64x128xf32, #tpu.memory_space<vmem>> -> memref<64x128xf32, #tpu.memory_space<vmem>>
    %dma_start3A_53 = arith.constant 192 : i32
    %dma_start3A_54 = tpu.memref_slice %arg5[%dma_start3A_53] : memref<25600xi32, #tpu.memory_space<vmem>> -> memref<64xi32, #tpu.memory_space<vmem>>
    %dma_start3A_55 = arith.constant 0 : i32
    %dma_start3A_56 = arith.constant 0 : i32
    %dma_start3A_57 = tpu.memref_slice %arg7[%dma_start3A_55, %dma_start3A_56] : memref<1000x128xf32, #tpu.memory_space<vmem_shared>> -> memref<1000x128xf32, #tpu.memory_space<vmem_shared>>
    tpu.enqueue_indirect_dma source(%dma_start3A_57 : memref<1000x128xf32, #tpu.memory_space<vmem_shared>>) target(%dma_start3A_52 : memref<64x128xf32, #tpu.memory_space<vmem>>) offsets(%dma_start3A_54 : memref<64xi32, #tpu.memory_space<vmem>>) semaphore(%arg11 : memref<!tpu.dma_semaphore, #tpu.memory_space<semaphore_mem>>)
    %dma_start3A_58 = arith.constant 4 : i32
    %dma_start3A_59 = arith.constant 0 : i32
    %dma_start3A_60 = arith.constant 0 : i32
    %dma_start3A_61 = tpu.memref_slice %arg6[%dma_start3A_58, %dma_start3A_59, %dma_start3A_60] : memref<10x64x128xf32, #tpu.memory_space<vmem>> -> memref<1x64x128xf32, #tpu.memory_space<vmem>>
    %dma_start3A_62 = tpu.memref_squeeze %dma_start3A_61 : memref<1x64x128xf32, #tpu.memory_space<vmem>> -> memref<64x128xf32, #tpu.memory_space<vmem>>
    %dma_start3A_63 = arith.constant 256 : i32
    %dma_start3A_64 = tpu.memref_slice %arg5[%dma_start3A_63] : memref<25600xi32, #tpu.memory_space<vmem>> -> memref<64xi32, #tpu.memory_space<vmem>>
    %dma_start3A_65 = arith.constant 0 : i32
    %dma_start3A_66 = arith.constant 0 : i32
    %dma_start3A_67 = tpu.memref_slice %arg7[%dma_start3A_65, %dma_start3A_66] : memref<1000x128xf32, #tpu.memory_space<vmem_shared>> -> memref<1000x128xf32, #tpu.memory_space<vmem_shared>>
    tpu.enqueue_indirect_dma source(%dma_start3A_67 : memref<1000x128xf32, #tpu.memory_space<vmem_shared>>) target(%dma_start3A_62 : memref<64x128xf32, #tpu.memory_space<vmem>>) offsets(%dma_start3A_64 : memref<64xi32, #tpu.memory_space<vmem>>) semaphore(%arg12 : memref<!tpu.dma_semaphore, #tpu.memory_space<semaphore_mem>>)
    %dma_start3A_68 = arith.constant 5 : i32
    %dma_start3A_69 = arith.constant 0 : i32
    %dma_start3A_70 = arith.constant 0 : i32
    %dma_start3A_71 = tpu.memref_slice %arg6[%dma_start3A_68, %dma_start3A_69, %dma_start3A_70] : memref<10x64x128xf32, #tpu.memory_space<vmem>> -> memref<1x64x128xf32, #tpu.memory_space<vmem>>
    %dma_start3A_72 = tpu.memref_squeeze %dma_start3A_71 : memref<1x64x128xf32, #tpu.memory_space<vmem>> -> memref<64x128xf32, #tpu.memory_space<vmem>>
    %dma_start3A_73 = arith.constant 320 : i32
    %dma_start3A_74 = tpu.memref_slice %arg5[%dma_start3A_73] : memref<25600xi32, #tpu.memory_space<vmem>> -> memref<64xi32, #tpu.memory_space<vmem>>
    %dma_start3A_75 = arith.constant 0 : i32
    %dma_start3A_76 = arith.constant 0 : i32
    %dma_start3A_77 = tpu.memref_slice %arg7[%dma_start3A_75, %dma_start3A_76] : memref<1000x128xf32, #tpu.memory_space<vmem_shared>> -> memref<1000x128xf32, #tpu.memory_space<vmem_shared>>
    tpu.enqueue_indirect_dma source(%dma_start3A_77 : memref<1000x128xf32, #tpu.memory_space<vmem_shared>>) target(%dma_start3A_72 : memref<64x128xf32, #tpu.memory_space<vmem>>) offsets(%dma_start3A_74 : memref<64xi32, #tpu.memory_space<vmem>>) semaphore(%arg13 : memref<!tpu.dma_semaphore, #tpu.memory_space<semaphore_mem>>)
    %scan3A = arith.constant 0 : i32
    %scan3A_78 = arith.constant 0 : i32
    %scan3A_79 = arith.constant 40 : i32
    %scan3A_80 = arith.addi %scan3A_78, %scan3A_79 : i32
    %scan3A_81 = arith.constant 1 : i32
    scf.for %scan3A_232 = %scan3A_78 to %scan3A_80 step %scan3A_81  : i32 {
      %mul3A_233 = arith.constant 10 : i32
      %mul3A_234 = arith.muli %mul3A_233, %scan3A_232 : i32
      %add3A_235 = arith.constant 0 : i32
      %add3A_236 = arith.addi %mul3A_234, %add3A_235 : i32
      %mul3A_237 = arith.constant 64 : i32
      %mul3A_238 = arith.muli %add3A_236, %mul3A_237 : i32
      %dma_wait3A_239 = arith.constant 0 : i32
      %dma_wait3A_240 = arith.constant 0 : i32
      %dma_wait3A_241 = arith.constant 0 : i32
      %dma_wait3A_242 = tpu.memref_slice %arg6[%dma_wait3A_239, %dma_wait3A_240, %dma_wait3A_241] : memref<10x64x128xf32, #tpu.memory_space<vmem>> -> memref<1x64x128xf32, #tpu.memory_space<vmem>>
      %dma_wait3A_243 = tpu.memref_squeeze %dma_wait3A_242 : memref<1x64x128xf32, #tpu.memory_space<vmem>> -> memref<64x128xf32, #tpu.memory_space<vmem>>
      %dma_wait3A_244 = tpu.memref_slice %arg5[%mul3A_238] : memref<25600xi32, #tpu.memory_space<vmem>> -> memref<64xi32, #tpu.memory_space<vmem>>
      %dma_wait3A_245 = arith.constant 0 : i32
      %dma_wait3A_246 = arith.constant 0 : i32
      %dma_wait3A_247 = tpu.memref_slice %arg7[%dma_wait3A_245, %dma_wait3A_246] : memref<1000x128xf32, #tpu.memory_space<vmem_shared>> -> memref<1000x128xf32, #tpu.memory_space<vmem_shared>>
      tpu.wait_indirect_dma semaphore(%arg8 : memref<!tpu.dma_semaphore, #tpu.memory_space<semaphore_mem>>) src(%dma_wait3A_247 : memref<1000x128xf32, #tpu.memory_space<vmem_shared>>) dst(%dma_wait3A_243 : memref<64x128xf32, #tpu.memory_space<vmem>>)
      %mul3A_248 = arith.constant 64 : i32
      %mul3A_249 = arith.muli %add3A_236, %mul3A_248 : i32
      %add3A_250 = arith.addi %mul3A_2, %mul3A_249 : i32
      %dma_start3A_251 = arith.constant 0 : i32
      %dma_start3A_252 = arith.constant 0 : i32
      %dma_start3A_253 = arith.constant 0 : i32
      %dma_start3A_254 = tpu.memref_slice %arg6[%dma_start3A_251, %dma_start3A_252, %dma_start3A_253] : memref<10x64x128xf32, #tpu.memory_space<vmem>> -> memref<1x64x128xf32, #tpu.memory_space<vmem>>
      %dma_start3A_255 = tpu.memref_squeeze %dma_start3A_254 : memref<1x64x128xf32, #tpu.memory_space<vmem>> -> memref<64x128xf32, #tpu.memory_space<vmem>>
      %dma_start3A_256 = arith.constant 0 : i32
      %dma_start3A_257 = tpu.memref_slice %arg4[%add3A_250, %dma_start3A_256] : memref<819200x128xf32, #tpu.memory_space<hbm>> -> memref<64x128xf32, #tpu.memory_space<hbm>>
      %dma_start3A_258 = arith.constant 0 : i32
      %dma_start3A_259 = tpu.memref_slice %arg4[%add3A_250, %dma_start3A_258] : memref<819200x128xf32, #tpu.memory_space<hbm>> -> memref<64x128xf32, #tpu.memory_space<hbm>>
      %dma_start3A_260 = arith.constant 0 : i32
      %dma_start3A_261 = arith.constant 0 : i32
      %dma_start3A_262 = tpu.memref_slice %arg6[%dma_start3A_251, %dma_start3A_260, %dma_start3A_261] : memref<10x64x128xf32, #tpu.memory_space<vmem>> -> memref<1x64x128xf32, #tpu.memory_space<vmem>>
      %dma_start3A_263 = tpu.memref_squeeze %dma_start3A_262 : memref<1x64x128xf32, #tpu.memory_space<vmem>> -> memref<64x128xf32, #tpu.memory_space<vmem>>
      tpu.enqueue_dma source(%dma_start3A_263 : memref<64x128xf32, #tpu.memory_space<vmem>>) target(%dma_start3A_259 : memref<64x128xf32, #tpu.memory_space<hbm>>) target_semaphore(%arg18 : memref<!tpu.dma_semaphore, #tpu.memory_space<semaphore_mem>>)
      %add3A_264 = arith.constant 6 : i32
      %add3A_265 = arith.addi %add3A_236, %add3A_264 : i32
      %lt3A_266 = arith.constant 400 : i32
      %lt3A_267 = arith.cmpi slt, %add3A_265, %lt3A_266 : i32
      %convert_element_type3A_268 = arith.extui %lt3A_267 : i1 to i32
      %cond3A_269 = arith.constant 0 : i32
      %cond3A_270 = arith.cmpi ne, %convert_element_type3A_268, %cond3A_269 : i32
      scf.if %cond3A_270 {
        %ge3A = arith.constant 4 : i32
        %ge3A_595 = arith.cmpi sge, %add3A_236, %ge3A : i32
        %convert_element_type3A_596 = arith.extui %ge3A_595 : i1 to i32
        %cond3A_597 = arith.constant 0 : i32
        %cond3A_598 = arith.cmpi ne, %convert_element_type3A_596, %cond3A_597 : i32
        scf.if %cond3A_598 {
          %add3A_612 = arith.constant 6 : i32
          %add3A_613 = arith.addi %add3A_236, %add3A_612 : i32
          %sub3A = arith.constant 10 : i32
          %sub3A_614 = arith.subi %add3A_613, %sub3A : i32
          %mul3A_615 = arith.constant 64 : i32
          %mul3A_616 = arith.muli %sub3A_614, %mul3A_615 : i32
          %add3A_617 = arith.addi %mul3A_2, %mul3A_616 : i32
          %dma_wait3A_618 = arith.constant 6 : i32
          %dma_wait3A_619 = arith.constant 0 : i32
          %dma_wait3A_620 = arith.constant 0 : i32
          %dma_wait3A_621 = tpu.memref_slice %arg6[%dma_wait3A_618, %dma_wait3A_619, %dma_wait3A_620] : memref<10x64x128xf32, #tpu.memory_space<vmem>> -> memref<1x64x128xf32, #tpu.memory_space<vmem>>
          %dma_wait3A_622 = tpu.memref_squeeze %dma_wait3A_621 : memref<1x64x128xf32, #tpu.memory_space<vmem>> -> memref<64x128xf32, #tpu.memory_space<vmem>>
          %dma_wait3A_623 = arith.constant 0 : i32
          %dma_wait3A_624 = tpu.memref_slice %arg4[%add3A_617, %dma_wait3A_623] : memref<819200x128xf32, #tpu.memory_space<hbm>> -> memref<64x128xf32, #tpu.memory_space<hbm>>
          %dma_wait3A_625 = arith.constant 0 : i32
          %dma_wait3A_626 = tpu.memref_slice %arg4[%add3A_617, %dma_wait3A_625] : memref<819200x128xf32, #tpu.memory_space<hbm>> -> memref<64x128xf32, #tpu.memory_space<hbm>>
          %dma_wait3A_627 = arith.constant 0 : i32
          %dma_wait3A_628 = arith.constant 0 : i32
          %dma_wait3A_629 = tpu.memref_slice %arg6[%dma_wait3A_618, %dma_wait3A_627, %dma_wait3A_628] : memref<10x64x128xf32, #tpu.memory_space<vmem>> -> memref<1x64x128xf32, #tpu.memory_space<vmem>>
          %dma_wait3A_630 = tpu.memref_squeeze %dma_wait3A_629 : memref<1x64x128xf32, #tpu.memory_space<vmem>> -> memref<64x128xf32, #tpu.memory_space<vmem>>
          tpu.wait_dma2 semaphore(%arg24 : memref<!tpu.dma_semaphore, #tpu.memory_space<semaphore_mem>>) src(%dma_wait3A_630 : memref<64x128xf32, #tpu.memory_space<vmem>>) dst(%dma_wait3A_626 : memref<64x128xf32, #tpu.memory_space<hbm>>)
        } else {
        }
        %add3A_599 = arith.constant 6 : i32
        %add3A_600 = arith.addi %add3A_236, %add3A_599 : i32
        %mul3A_601 = arith.constant 64 : i32
        %mul3A_602 = arith.muli %add3A_600, %mul3A_601 : i32
        %dma_start3A_603 = arith.constant 6 : i32
        %dma_start3A_604 = arith.constant 0 : i32
        %dma_start3A_605 = arith.constant 0 : i32
        %dma_start3A_606 = tpu.memref_slice %arg6[%dma_start3A_603, %dma_start3A_604, %dma_start3A_605] : memref<10x64x128xf32, #tpu.memory_space<vmem>> -> memref<1x64x128xf32, #tpu.memory_space<vmem>>
        %dma_start3A_607 = tpu.memref_squeeze %dma_start3A_606 : memref<1x64x128xf32, #tpu.memory_space<vmem>> -> memref<64x128xf32, #tpu.memory_space<vmem>>
        %dma_start3A_608 = tpu.memref_slice %arg5[%mul3A_602] : memref<25600xi32, #tpu.memory_space<vmem>> -> memref<64xi32, #tpu.memory_space<vmem>>
        %dma_start3A_609 = arith.constant 0 : i32
        %dma_start3A_610 = arith.constant 0 : i32
        %dma_start3A_611 = tpu.memref_slice %arg7[%dma_start3A_609, %dma_start3A_610] : memref<1000x128xf32, #tpu.memory_space<vmem_shared>> -> memref<1000x128xf32, #tpu.memory_space<vmem_shared>>
        tpu.enqueue_indirect_dma source(%dma_start3A_611 : memref<1000x128xf32, #tpu.memory_space<vmem_shared>>) target(%dma_start3A_607 : memref<64x128xf32, #tpu.memory_space<vmem>>) offsets(%dma_start3A_608 : memref<64xi32, #tpu.memory_space<vmem>>) semaphore(%arg14 : memref<!tpu.dma_semaphore, #tpu.memory_space<semaphore_mem>>)
      } else {
      }
      %add3A_271 = arith.constant 1 : i32
      %add3A_272 = arith.addi %mul3A_234, %add3A_271 : i32
      %mul3A_273 = arith.constant 64 : i32
      %mul3A_274 = arith.muli %add3A_272, %mul3A_273 : i32
      %dma_wait3A_275 = arith.constant 1 : i32
      %dma_wait3A_276 = arith.constant 0 : i32
      %dma_wait3A_277 = arith.constant 0 : i32
      %dma_wait3A_278 = tpu.memref_slice %arg6[%dma_wait3A_275, %dma_wait3A_276, %dma_wait3A_277] : memref<10x64x128xf32, #tpu.memory_space<vmem>> -> memref<1x64x128xf32, #tpu.memory_space<vmem>>
      %dma_wait3A_279 = tpu.memref_squeeze %dma_wait3A_278 : memref<1x64x128xf32, #tpu.memory_space<vmem>> -> memref<64x128xf32, #tpu.memory_space<vmem>>
      %dma_wait3A_280 = tpu.memref_slice %arg5[%mul3A_274] : memref<25600xi32, #tpu.memory_space<vmem>> -> memref<64xi32, #tpu.memory_space<vmem>>
      %dma_wait3A_281 = arith.constant 0 : i32
      %dma_wait3A_282 = arith.constant 0 : i32
      %dma_wait3A_283 = tpu.memref_slice %arg7[%dma_wait3A_281, %dma_wait3A_282] : memref<1000x128xf32, #tpu.memory_space<vmem_shared>> -> memref<1000x128xf32, #tpu.memory_space<vmem_shared>>
      tpu.wait_indirect_dma semaphore(%arg9 : memref<!tpu.dma_semaphore, #tpu.memory_space<semaphore_mem>>) src(%dma_wait3A_283 : memref<1000x128xf32, #tpu.memory_space<vmem_shared>>) dst(%dma_wait3A_279 : memref<64x128xf32, #tpu.memory_space<vmem>>)
      %mul3A_284 = arith.constant 64 : i32
      %mul3A_285 = arith.muli %add3A_272, %mul3A_284 : i32
      %add3A_286 = arith.addi %mul3A_2, %mul3A_285 : i32
      %dma_start3A_287 = arith.constant 1 : i32
      %dma_start3A_288 = arith.constant 0 : i32
      %dma_start3A_289 = arith.constant 0 : i32
      %dma_start3A_290 = tpu.memref_slice %arg6[%dma_start3A_287, %dma_start3A_288, %dma_start3A_289] : memref<10x64x128xf32, #tpu.memory_space<vmem>> -> memref<1x64x128xf32, #tpu.memory_space<vmem>>
      %dma_start3A_291 = tpu.memref_squeeze %dma_start3A_290 : memref<1x64x128xf32, #tpu.memory_space<vmem>> -> memref<64x128xf32, #tpu.memory_space<vmem>>
      %dma_start3A_292 = arith.constant 0 : i32
      %dma_start3A_293 = tpu.memref_slice %arg4[%add3A_286, %dma_start3A_292] : memref<819200x128xf32, #tpu.memory_space<hbm>> -> memref<64x128xf32, #tpu.memory_space<hbm>>
      %dma_start3A_294 = arith.constant 0 : i32
      %dma_start3A_295 = tpu.memref_slice %arg4[%add3A_286, %dma_start3A_294] : memref<819200x128xf32, #tpu.memory_space<hbm>> -> memref<64x128xf32, #tpu.memory_space<hbm>>
      %dma_start3A_296 = arith.constant 0 : i32
      %dma_start3A_297 = arith.constant 0 : i32
      %dma_start3A_298 = tpu.memref_slice %arg6[%dma_start3A_287, %dma_start3A_296, %dma_start3A_297] : memref<10x64x128xf32, #tpu.memory_space<vmem>> -> memref<1x64x128xf32, #tpu.memory_space<vmem>>
      %dma_start3A_299 = tpu.memref_squeeze %dma_start3A_298 : memref<1x64x128xf32, #tpu.memory_space<vmem>> -> memref<64x128xf32, #tpu.memory_space<vmem>>
      tpu.enqueue_dma source(%dma_start3A_299 : memref<64x128xf32, #tpu.memory_space<vmem>>) target(%dma_start3A_295 : memref<64x128xf32, #tpu.memory_space<hbm>>) target_semaphore(%arg19 : memref<!tpu.dma_semaphore, #tpu.memory_space<semaphore_mem>>)
      %add3A_300 = arith.constant 6 : i32
      %add3A_301 = arith.addi %add3A_272, %add3A_300 : i32
      %lt3A_302 = arith.constant 400 : i32
      %lt3A_303 = arith.cmpi slt, %add3A_301, %lt3A_302 : i32
      %convert_element_type3A_304 = arith.extui %lt3A_303 : i1 to i32
      %cond3A_305 = arith.constant 0 : i32
      %cond3A_306 = arith.cmpi ne, %convert_element_type3A_304, %cond3A_305 : i32
      scf.if %cond3A_306 {
        %ge3A = arith.constant 4 : i32
        %ge3A_595 = arith.cmpi sge, %add3A_272, %ge3A : i32
        %convert_element_type3A_596 = arith.extui %ge3A_595 : i1 to i32
        %cond3A_597 = arith.constant 0 : i32
        %cond3A_598 = arith.cmpi ne, %convert_element_type3A_596, %cond3A_597 : i32
        scf.if %cond3A_598 {
          %add3A_612 = arith.constant 6 : i32
          %add3A_613 = arith.addi %add3A_272, %add3A_612 : i32
          %sub3A = arith.constant 10 : i32
          %sub3A_614 = arith.subi %add3A_613, %sub3A : i32
          %mul3A_615 = arith.constant 64 : i32
          %mul3A_616 = arith.muli %sub3A_614, %mul3A_615 : i32
          %add3A_617 = arith.addi %mul3A_2, %mul3A_616 : i32
          %dma_wait3A_618 = arith.constant 7 : i32
          %dma_wait3A_619 = arith.constant 0 : i32
          %dma_wait3A_620 = arith.constant 0 : i32
          %dma_wait3A_621 = tpu.memref_slice %arg6[%dma_wait3A_618, %dma_wait3A_619, %dma_wait3A_620] : memref<10x64x128xf32, #tpu.memory_space<vmem>> -> memref<1x64x128xf32, #tpu.memory_space<vmem>>
          %dma_wait3A_622 = tpu.memref_squeeze %dma_wait3A_621 : memref<1x64x128xf32, #tpu.memory_space<vmem>> -> memref<64x128xf32, #tpu.memory_space<vmem>>
          %dma_wait3A_623 = arith.constant 0 : i32
          %dma_wait3A_624 = tpu.memref_slice %arg4[%add3A_617, %dma_wait3A_623] : memref<819200x128xf32, #tpu.memory_space<hbm>> -> memref<64x128xf32, #tpu.memory_space<hbm>>
          %dma_wait3A_625 = arith.constant 0 : i32
          %dma_wait3A_626 = tpu.memref_slice %arg4[%add3A_617, %dma_wait3A_625] : memref<819200x128xf32, #tpu.memory_space<hbm>> -> memref<64x128xf32, #tpu.memory_space<hbm>>
          %dma_wait3A_627 = arith.constant 0 : i32
          %dma_wait3A_628 = arith.constant 0 : i32
          %dma_wait3A_629 = tpu.memref_slice %arg6[%dma_wait3A_618, %dma_wait3A_627, %dma_wait3A_628] : memref<10x64x128xf32, #tpu.memory_space<vmem>> -> memref<1x64x128xf32, #tpu.memory_space<vmem>>
          %dma_wait3A_630 = tpu.memref_squeeze %dma_wait3A_629 : memref<1x64x128xf32, #tpu.memory_space<vmem>> -> memref<64x128xf32, #tpu.memory_space<vmem>>
          tpu.wait_dma2 semaphore(%arg25 : memref<!tpu.dma_semaphore, #tpu.memory_space<semaphore_mem>>) src(%dma_wait3A_630 : memref<64x128xf32, #tpu.memory_space<vmem>>) dst(%dma_wait3A_626 : memref<64x128xf32, #tpu.memory_space<hbm>>)
        } else {
        }
        %add3A_599 = arith.constant 6 : i32
        %add3A_600 = arith.addi %add3A_272, %add3A_599 : i32
        %mul3A_601 = arith.constant 64 : i32
        %mul3A_602 = arith.muli %add3A_600, %mul3A_601 : i32
        %dma_start3A_603 = arith.constant 7 : i32
        %dma_start3A_604 = arith.constant 0 : i32
        %dma_start3A_605 = arith.constant 0 : i32
        %dma_start3A_606 = tpu.memref_slice %arg6[%dma_start3A_603, %dma_start3A_604, %dma_start3A_605] : memref<10x64x128xf32, #tpu.memory_space<vmem>> -> memref<1x64x128xf32, #tpu.memory_space<vmem>>
        %dma_start3A_607 = tpu.memref_squeeze %dma_start3A_606 : memref<1x64x128xf32, #tpu.memory_space<vmem>> -> memref<64x128xf32, #tpu.memory_space<vmem>>
        %dma_start3A_608 = tpu.memref_slice %arg5[%mul3A_602] : memref<25600xi32, #tpu.memory_space<vmem>> -> memref<64xi32, #tpu.memory_space<vmem>>
        %dma_start3A_609 = arith.constant 0 : i32
        %dma_start3A_610 = arith.constant 0 : i32
        %dma_start3A_611 = tpu.memref_slice %arg7[%dma_start3A_609, %dma_start3A_610] : memref<1000x128xf32, #tpu.memory_space<vmem_shared>> -> memref<1000x128xf32, #tpu.memory_space<vmem_shared>>
        tpu.enqueue_indirect_dma source(%dma_start3A_611 : memref<1000x128xf32, #tpu.memory_space<vmem_shared>>) target(%dma_start3A_607 : memref<64x128xf32, #tpu.memory_space<vmem>>) offsets(%dma_start3A_608 : memref<64xi32, #tpu.memory_space<vmem>>) semaphore(%arg15 : memref<!tpu.dma_semaphore, #tpu.memory_space<semaphore_mem>>)
      } else {
      }
      %add3A_307 = arith.constant 2 : i32
      %add3A_308 = arith.addi %mul3A_234, %add3A_307 : i32
      %mul3A_309 = arith.constant 64 : i32
      %mul3A_310 = arith.muli %add3A_308, %mul3A_309 : i32
      %dma_wait3A_311 = arith.constant 2 : i32
      %dma_wait3A_312 = arith.constant 0 : i32
      %dma_wait3A_313 = arith.constant 0 : i32
      %dma_wait3A_314 = tpu.memref_slice %arg6[%dma_wait3A_311, %dma_wait3A_312, %dma_wait3A_313] : memref<10x64x128xf32, #tpu.memory_space<vmem>> -> memref<1x64x128xf32, #tpu.memory_space<vmem>>
      %dma_wait3A_315 = tpu.memref_squeeze %dma_wait3A_314 : memref<1x64x128xf32, #tpu.memory_space<vmem>> -> memref<64x128xf32, #tpu.memory_space<vmem>>
      %dma_wait3A_316 = tpu.memref_slice %arg5[%mul3A_310] : memref<25600xi32, #tpu.memory_space<vmem>> -> memref<64xi32, #tpu.memory_space<vmem>>
      %dma_wait3A_317 = arith.constant 0 : i32
      %dma_wait3A_318 = arith.constant 0 : i32
      %dma_wait3A_319 = tpu.memref_slice %arg7[%dma_wait3A_317, %dma_wait3A_318] : memref<1000x128xf32, #tpu.memory_space<vmem_shared>> -> memref<1000x128xf32, #tpu.memory_space<vmem_shared>>
      tpu.wait_indirect_dma semaphore(%arg10 : memref<!tpu.dma_semaphore, #tpu.memory_space<semaphore_mem>>) src(%dma_wait3A_319 : memref<1000x128xf32, #tpu.memory_space<vmem_shared>>) dst(%dma_wait3A_315 : memref<64x128xf32, #tpu.memory_space<vmem>>)
      %mul3A_320 = arith.constant 64 : i32
      %mul3A_321 = arith.muli %add3A_308, %mul3A_320 : i32
      %add3A_322 = arith.addi %mul3A_2, %mul3A_321 : i32
      %dma_start3A_323 = arith.constant 2 : i32
      %dma_start3A_324 = arith.constant 0 : i32
      %dma_start3A_325 = arith.constant 0 : i32
      %dma_start3A_326 = tpu.memref_slice %arg6[%dma_start3A_323, %dma_start3A_324, %dma_start3A_325] : memref<10x64x128xf32, #tpu.memory_space<vmem>> -> memref<1x64x128xf32, #tpu.memory_space<vmem>>
      %dma_start3A_327 = tpu.memref_squeeze %dma_start3A_326 : memref<1x64x128xf32, #tpu.memory_space<vmem>> -> memref<64x128xf32, #tpu.memory_space<vmem>>
      %dma_start3A_328 = arith.constant 0 : i32
      %dma_start3A_329 = tpu.memref_slice %arg4[%add3A_322, %dma_start3A_328] : memref<819200x128xf32, #tpu.memory_space<hbm>> -> memref<64x128xf32, #tpu.memory_space<hbm>>
      %dma_start3A_330 = arith.constant 0 : i32
      %dma_start3A_331 = tpu.memref_slice %arg4[%add3A_322, %dma_start3A_330] : memref<819200x128xf32, #tpu.memory_space<hbm>> -> memref<64x128xf32, #tpu.memory_space<hbm>>
      %dma_start3A_332 = arith.constant 0 : i32
      %dma_start3A_333 = arith.constant 0 : i32
      %dma_start3A_334 = tpu.memref_slice %arg6[%dma_start3A_323, %dma_start3A_332, %dma_start3A_333] : memref<10x64x128xf32, #tpu.memory_space<vmem>> -> memref<1x64x128xf32, #tpu.memory_space<vmem>>
      %dma_start3A_335 = tpu.memref_squeeze %dma_start3A_334 : memref<1x64x128xf32, #tpu.memory_space<vmem>> -> memref<64x128xf32, #tpu.memory_space<vmem>>
      tpu.enqueue_dma source(%dma_start3A_335 : memref<64x128xf32, #tpu.memory_space<vmem>>) target(%dma_start3A_331 : memref<64x128xf32, #tpu.memory_space<hbm>>) target_semaphore(%arg20 : memref<!tpu.dma_semaphore, #tpu.memory_space<semaphore_mem>>)
      %add3A_336 = arith.constant 6 : i32
      %add3A_337 = arith.addi %add3A_308, %add3A_336 : i32
      %lt3A_338 = arith.constant 400 : i32
      %lt3A_339 = arith.cmpi slt, %add3A_337, %lt3A_338 : i32
      %convert_element_type3A_340 = arith.extui %lt3A_339 : i1 to i32
      %cond3A_341 = arith.constant 0 : i32
      %cond3A_342 = arith.cmpi ne, %convert_element_type3A_340, %cond3A_341 : i32
      scf.if %cond3A_342 {
        %ge3A = arith.constant 4 : i32
        %ge3A_595 = arith.cmpi sge, %add3A_308, %ge3A : i32
        %convert_element_type3A_596 = arith.extui %ge3A_595 : i1 to i32
        %cond3A_597 = arith.constant 0 : i32
        %cond3A_598 = arith.cmpi ne, %convert_element_type3A_596, %cond3A_597 : i32
        scf.if %cond3A_598 {
          %add3A_612 = arith.constant 6 : i32
          %add3A_613 = arith.addi %add3A_308, %add3A_612 : i32
          %sub3A = arith.constant 10 : i32
          %sub3A_614 = arith.subi %add3A_613, %sub3A : i32
          %mul3A_615 = arith.constant 64 : i32
          %mul3A_616 = arith.muli %sub3A_614, %mul3A_615 : i32
          %add3A_617 = arith.addi %mul3A_2, %mul3A_616 : i32
          %dma_wait3A_618 = arith.constant 8 : i32
          %dma_wait3A_619 = arith.constant 0 : i32
          %dma_wait3A_620 = arith.constant 0 : i32
          %dma_wait3A_621 = tpu.memref_slice %arg6[%dma_wait3A_618, %dma_wait3A_619, %dma_wait3A_620] : memref<10x64x128xf32, #tpu.memory_space<vmem>> -> memref<1x64x128xf32, #tpu.memory_space<vmem>>
          %dma_wait3A_622 = tpu.memref_squeeze %dma_wait3A_621 : memref<1x64x128xf32, #tpu.memory_space<vmem>> -> memref<64x128xf32, #tpu.memory_space<vmem>>
          %dma_wait3A_623 = arith.constant 0 : i32
          %dma_wait3A_624 = tpu.memref_slice %arg4[%add3A_617, %dma_wait3A_623] : memref<819200x128xf32, #tpu.memory_space<hbm>> -> memref<64x128xf32, #tpu.memory_space<hbm>>
          %dma_wait3A_625 = arith.constant 0 : i32
          %dma_wait3A_626 = tpu.memref_slice %arg4[%add3A_617, %dma_wait3A_625] : memref<819200x128xf32, #tpu.memory_space<hbm>> -> memref<64x128xf32, #tpu.memory_space<hbm>>
          %dma_wait3A_627 = arith.constant 0 : i32
          %dma_wait3A_628 = arith.constant 0 : i32
          %dma_wait3A_629 = tpu.memref_slice %arg6[%dma_wait3A_618, %dma_wait3A_627, %dma_wait3A_628] : memref<10x64x128xf32, #tpu.memory_space<vmem>> -> memref<1x64x128xf32, #tpu.memory_space<vmem>>
          %dma_wait3A_630 = tpu.memref_squeeze %dma_wait3A_629 : memref<1x64x128xf32, #tpu.memory_space<vmem>> -> memref<64x128xf32, #tpu.memory_space<vmem>>
          tpu.wait_dma2 semaphore(%arg26 : memref<!tpu.dma_semaphore, #tpu.memory_space<semaphore_mem>>) src(%dma_wait3A_630 : memref<64x128xf32, #tpu.memory_space<vmem>>) dst(%dma_wait3A_626 : memref<64x128xf32, #tpu.memory_space<hbm>>)
        } else {
        }
        %add3A_599 = arith.constant 6 : i32
        %add3A_600 = arith.addi %add3A_308, %add3A_599 : i32
        %mul3A_601 = arith.constant 64 : i32
        %mul3A_602 = arith.muli %add3A_600, %mul3A_601 : i32
        %dma_start3A_603 = arith.constant 8 : i32
        %dma_start3A_604 = arith.constant 0 : i32
        %dma_start3A_605 = arith.constant 0 : i32
        %dma_start3A_606 = tpu.memref_slice %arg6[%dma_start3A_603, %dma_start3A_604, %dma_start3A_605] : memref<10x64x128xf32, #tpu.memory_space<vmem>> -> memref<1x64x128xf32, #tpu.memory_space<vmem>>
        %dma_start3A_607 = tpu.memref_squeeze %dma_start3A_606 : memref<1x64x128xf32, #tpu.memory_space<vmem>> -> memref<64x128xf32, #tpu.memory_space<vmem>>
        %dma_start3A_608 = tpu.memref_slice %arg5[%mul3A_602] : memref<25600xi32, #tpu.memory_space<vmem>> -> memref<64xi32, #tpu.memory_space<vmem>>
        %dma_start3A_609 = arith.constant 0 : i32
        %dma_start3A_610 = arith.constant 0 : i32
        %dma_start3A_611 = tpu.memref_slice %arg7[%dma_start3A_609, %dma_start3A_610] : memref<1000x128xf32, #tpu.memory_space<vmem_shared>> -> memref<1000x128xf32, #tpu.memory_space<vmem_shared>>
        tpu.enqueue_indirect_dma source(%dma_start3A_611 : memref<1000x128xf32, #tpu.memory_space<vmem_shared>>) target(%dma_start3A_607 : memref<64x128xf32, #tpu.memory_space<vmem>>) offsets(%dma_start3A_608 : memref<64xi32, #tpu.memory_space<vmem>>) semaphore(%arg16 : memref<!tpu.dma_semaphore, #tpu.memory_space<semaphore_mem>>)
      } else {
      }
      %add3A_343 = arith.constant 3 : i32
      %add3A_344 = arith.addi %mul3A_234, %add3A_343 : i32
      %mul3A_345 = arith.constant 64 : i32
      %mul3A_346 = arith.muli %add3A_344, %mul3A_345 : i32
      %dma_wait3A_347 = arith.constant 3 : i32
      %dma_wait3A_348 = arith.constant 0 : i32
      %dma_wait3A_349 = arith.constant 0 : i32
      %dma_wait3A_350 = tpu.memref_slice %arg6[%dma_wait3A_347, %dma_wait3A_348, %dma_wait3A_349] : memref<10x64x128xf32, #tpu.memory_space<vmem>> -> memref<1x64x128xf32, #tpu.memory_space<vmem>>
      %dma_wait3A_351 = tpu.memref_squeeze %dma_wait3A_350 : memref<1x64x128xf32, #tpu.memory_space<vmem>> -> memref<64x128xf32, #tpu.memory_space<vmem>>
      %dma_wait3A_352 = tpu.memref_slice %arg5[%mul3A_346] : memref<25600xi32, #tpu.memory_space<vmem>> -> memref<64xi32, #tpu.memory_space<vmem>>
      %dma_wait3A_353 = arith.constant 0 : i32
      %dma_wait3A_354 = arith.constant 0 : i32
      %dma_wait3A_355 = tpu.memref_slice %arg7[%dma_wait3A_353, %dma_wait3A_354] : memref<1000x128xf32, #tpu.memory_space<vmem_shared>> -> memref<1000x128xf32, #tpu.memory_space<vmem_shared>>
      tpu.wait_indirect_dma semaphore(%arg11 : memref<!tpu.dma_semaphore, #tpu.memory_space<semaphore_mem>>) src(%dma_wait3A_355 : memref<1000x128xf32, #tpu.memory_space<vmem_shared>>) dst(%dma_wait3A_351 : memref<64x128xf32, #tpu.memory_space<vmem>>)
      %mul3A_356 = arith.constant 64 : i32
      %mul3A_357 = arith.muli %add3A_344, %mul3A_356 : i32
      %add3A_358 = arith.addi %mul3A_2, %mul3A_357 : i32
      %dma_start3A_359 = arith.constant 3 : i32
      %dma_start3A_360 = arith.constant 0 : i32
      %dma_start3A_361 = arith.constant 0 : i32
      %dma_start3A_362 = tpu.memref_slice %arg6[%dma_start3A_359, %dma_start3A_360, %dma_start3A_361] : memref<10x64x128xf32, #tpu.memory_space<vmem>> -> memref<1x64x128xf32, #tpu.memory_space<vmem>>
      %dma_start3A_363 = tpu.memref_squeeze %dma_start3A_362 : memref<1x64x128xf32, #tpu.memory_space<vmem>> -> memref<64x128xf32, #tpu.memory_space<vmem>>
      %dma_start3A_364 = arith.constant 0 : i32
      %dma_start3A_365 = tpu.memref_slice %arg4[%add3A_358, %dma_start3A_364] : memref<819200x128xf32, #tpu.memory_space<hbm>> -> memref<64x128xf32, #tpu.memory_space<hbm>>
      %dma_start3A_366 = arith.constant 0 : i32
      %dma_start3A_367 = tpu.memref_slice %arg4[%add3A_358, %dma_start3A_366] : memref<819200x128xf32, #tpu.memory_space<hbm>> -> memref<64x128xf32, #tpu.memory_space<hbm>>
      %dma_start3A_368 = arith.constant 0 : i32
      %dma_start3A_369 = arith.constant 0 : i32
      %dma_start3A_370 = tpu.memref_slice %arg6[%dma_start3A_359, %dma_start3A_368, %dma_start3A_369] : memref<10x64x128xf32, #tpu.memory_space<vmem>> -> memref<1x64x128xf32, #tpu.memory_space<vmem>>
      %dma_start3A_371 = tpu.memref_squeeze %dma_start3A_370 : memref<1x64x128xf32, #tpu.memory_space<vmem>> -> memref<64x128xf32, #tpu.memory_space<vmem>>
      tpu.enqueue_dma source(%dma_start3A_371 : memref<64x128xf32, #tpu.memory_space<vmem>>) target(%dma_start3A_367 : memref<64x128xf32, #tpu.memory_space<hbm>>) target_semaphore(%arg21 : memref<!tpu.dma_semaphore, #tpu.memory_space<semaphore_mem>>)
      %add3A_372 = arith.constant 6 : i32
      %add3A_373 = arith.addi %add3A_344, %add3A_372 : i32
      %lt3A_374 = arith.constant 400 : i32
      %lt3A_375 = arith.cmpi slt, %add3A_373, %lt3A_374 : i32
      %convert_element_type3A_376 = arith.extui %lt3A_375 : i1 to i32
      %cond3A_377 = arith.constant 0 : i32
      %cond3A_378 = arith.cmpi ne, %convert_element_type3A_376, %cond3A_377 : i32
      scf.if %cond3A_378 {
        %ge3A = arith.constant 4 : i32
        %ge3A_595 = arith.cmpi sge, %add3A_344, %ge3A : i32
        %convert_element_type3A_596 = arith.extui %ge3A_595 : i1 to i32
        %cond3A_597 = arith.constant 0 : i32
        %cond3A_598 = arith.cmpi ne, %convert_element_type3A_596, %cond3A_597 : i32
        scf.if %cond3A_598 {
          %add3A_612 = arith.constant 6 : i32
          %add3A_613 = arith.addi %add3A_344, %add3A_612 : i32
          %sub3A = arith.constant 10 : i32
          %sub3A_614 = arith.subi %add3A_613, %sub3A : i32
          %mul3A_615 = arith.constant 64 : i32
          %mul3A_616 = arith.muli %sub3A_614, %mul3A_615 : i32
          %add3A_617 = arith.addi %mul3A_2, %mul3A_616 : i32
          %dma_wait3A_618 = arith.constant 9 : i32
          %dma_wait3A_619 = arith.constant 0 : i32
          %dma_wait3A_620 = arith.constant 0 : i32
          %dma_wait3A_621 = tpu.memref_slice %arg6[%dma_wait3A_618, %dma_wait3A_619, %dma_wait3A_620] : memref<10x64x128xf32, #tpu.memory_space<vmem>> -> memref<1x64x128xf32, #tpu.memory_space<vmem>>
          %dma_wait3A_622 = tpu.memref_squeeze %dma_wait3A_621 : memref<1x64x128xf32, #tpu.memory_space<vmem>> -> memref<64x128xf32, #tpu.memory_space<vmem>>
          %dma_wait3A_623 = arith.constant 0 : i32
          %dma_wait3A_624 = tpu.memref_slice %arg4[%add3A_617, %dma_wait3A_623] : memref<819200x128xf32, #tpu.memory_space<hbm>> -> memref<64x128xf32, #tpu.memory_space<hbm>>
          %dma_wait3A_625 = arith.constant 0 : i32
          %dma_wait3A_626 = tpu.memref_slice %arg4[%add3A_617, %dma_wait3A_625] : memref<819200x128xf32, #tpu.memory_space<hbm>> -> memref<64x128xf32, #tpu.memory_space<hbm>>
          %dma_wait3A_627 = arith.constant 0 : i32
          %dma_wait3A_628 = arith.constant 0 : i32
          %dma_wait3A_629 = tpu.memref_slice %arg6[%dma_wait3A_618, %dma_wait3A_627, %dma_wait3A_628] : memref<10x64x128xf32, #tpu.memory_space<vmem>> -> memref<1x64x128xf32, #tpu.memory_space<vmem>>
          %dma_wait3A_630 = tpu.memref_squeeze %dma_wait3A_629 : memref<1x64x128xf32, #tpu.memory_space<vmem>> -> memref<64x128xf32, #tpu.memory_space<vmem>>
          tpu.wait_dma2 semaphore(%arg27 : memref<!tpu.dma_semaphore, #tpu.memory_space<semaphore_mem>>) src(%dma_wait3A_630 : memref<64x128xf32, #tpu.memory_space<vmem>>) dst(%dma_wait3A_626 : memref<64x128xf32, #tpu.memory_space<hbm>>)
        } else {
        }
        %add3A_599 = arith.constant 6 : i32
        %add3A_600 = arith.addi %add3A_344, %add3A_599 : i32
        %mul3A_601 = arith.constant 64 : i32
        %mul3A_602 = arith.muli %add3A_600, %mul3A_601 : i32
        %dma_start3A_603 = arith.constant 9 : i32
        %dma_start3A_604 = arith.constant 0 : i32
        %dma_start3A_605 = arith.constant 0 : i32
        %dma_start3A_606 = tpu.memref_slice %arg6[%dma_start3A_603, %dma_start3A_604, %dma_start3A_605] : memref<10x64x128xf32, #tpu.memory_space<vmem>> -> memref<1x64x128xf32, #tpu.memory_space<vmem>>
        %dma_start3A_607 = tpu.memref_squeeze %dma_start3A_606 : memref<1x64x128xf32, #tpu.memory_space<vmem>> -> memref<64x128xf32, #tpu.memory_space<vmem>>
        %dma_start3A_608 = tpu.memref_slice %arg5[%mul3A_602] : memref<25600xi32, #tpu.memory_space<vmem>> -> memref<64xi32, #tpu.memory_space<vmem>>
        %dma_start3A_609 = arith.constant 0 : i32
        %dma_start3A_610 = arith.constant 0 : i32
        %dma_start3A_611 = tpu.memref_slice %arg7[%dma_start3A_609, %dma_start3A_610] : memref<1000x128xf32, #tpu.memory_space<vmem_shared>> -> memref<1000x128xf32, #tpu.memory_space<vmem_shared>>
        tpu.enqueue_indirect_dma source(%dma_start3A_611 : memref<1000x128xf32, #tpu.memory_space<vmem_shared>>) target(%dma_start3A_607 : memref<64x128xf32, #tpu.memory_space<vmem>>) offsets(%dma_start3A_608 : memref<64xi32, #tpu.memory_space<vmem>>) semaphore(%arg17 : memref<!tpu.dma_semaphore, #tpu.memory_space<semaphore_mem>>)
      } else {
      }
      %add3A_379 = arith.constant 4 : i32
      %add3A_380 = arith.addi %mul3A_234, %add3A_379 : i32
      %mul3A_381 = arith.constant 64 : i32
      %mul3A_382 = arith.muli %add3A_380, %mul3A_381 : i32
      %dma_wait3A_383 = arith.constant 4 : i32
      %dma_wait3A_384 = arith.constant 0 : i32
      %dma_wait3A_385 = arith.constant 0 : i32
      %dma_wait3A_386 = tpu.memref_slice %arg6[%dma_wait3A_383, %dma_wait3A_384, %dma_wait3A_385] : memref<10x64x128xf32, #tpu.memory_space<vmem>> -> memref<1x64x128xf32, #tpu.memory_space<vmem>>
      %dma_wait3A_387 = tpu.memref_squeeze %dma_wait3A_386 : memref<1x64x128xf32, #tpu.memory_space<vmem>> -> memref<64x128xf32, #tpu.memory_space<vmem>>
      %dma_wait3A_388 = tpu.memref_slice %arg5[%mul3A_382] : memref<25600xi32, #tpu.memory_space<vmem>> -> memref<64xi32, #tpu.memory_space<vmem>>
      %dma_wait3A_389 = arith.constant 0 : i32
      %dma_wait3A_390 = arith.constant 0 : i32
      %dma_wait3A_391 = tpu.memref_slice %arg7[%dma_wait3A_389, %dma_wait3A_390] : memref<1000x128xf32, #tpu.memory_space<vmem_shared>> -> memref<1000x128xf32, #tpu.memory_space<vmem_shared>>
      tpu.wait_indirect_dma semaphore(%arg12 : memref<!tpu.dma_semaphore, #tpu.memory_space<semaphore_mem>>) src(%dma_wait3A_391 : memref<1000x128xf32, #tpu.memory_space<vmem_shared>>) dst(%dma_wait3A_387 : memref<64x128xf32, #tpu.memory_space<vmem>>)
      %mul3A_392 = arith.constant 64 : i32
      %mul3A_393 = arith.muli %add3A_380, %mul3A_392 : i32
      %add3A_394 = arith.addi %mul3A_2, %mul3A_393 : i32
      %dma_start3A_395 = arith.constant 4 : i32
      %dma_start3A_396 = arith.constant 0 : i32
      %dma_start3A_397 = arith.constant 0 : i32
      %dma_start3A_398 = tpu.memref_slice %arg6[%dma_start3A_395, %dma_start3A_396, %dma_start3A_397] : memref<10x64x128xf32, #tpu.memory_space<vmem>> -> memref<1x64x128xf32, #tpu.memory_space<vmem>>
      %dma_start3A_399 = tpu.memref_squeeze %dma_start3A_398 : memref<1x64x128xf32, #tpu.memory_space<vmem>> -> memref<64x128xf32, #tpu.memory_space<vmem>>
      %dma_start3A_400 = arith.constant 0 : i32
      %dma_start3A_401 = tpu.memref_slice %arg4[%add3A_394, %dma_start3A_400] : memref<819200x128xf32, #tpu.memory_space<hbm>> -> memref<64x128xf32, #tpu.memory_space<hbm>>
      %dma_start3A_402 = arith.constant 0 : i32
      %dma_start3A_403 = tpu.memref_slice %arg4[%add3A_394, %dma_start3A_402] : memref<819200x128xf32, #tpu.memory_space<hbm>> -> memref<64x128xf32, #tpu.memory_space<hbm>>
      %dma_start3A_404 = arith.constant 0 : i32
      %dma_start3A_405 = arith.constant 0 : i32
      %dma_start3A_406 = tpu.memref_slice %arg6[%dma_start3A_395, %dma_start3A_404, %dma_start3A_405] : memref<10x64x128xf32, #tpu.memory_space<vmem>> -> memref<1x64x128xf32, #tpu.memory_space<vmem>>
      %dma_start3A_407 = tpu.memref_squeeze %dma_start3A_406 : memref<1x64x128xf32, #tpu.memory_space<vmem>> -> memref<64x128xf32, #tpu.memory_space<vmem>>
      tpu.enqueue_dma source(%dma_start3A_407 : memref<64x128xf32, #tpu.memory_space<vmem>>) target(%dma_start3A_403 : memref<64x128xf32, #tpu.memory_space<hbm>>) target_semaphore(%arg22 : memref<!tpu.dma_semaphore, #tpu.memory_space<semaphore_mem>>)
      %add3A_408 = arith.constant 6 : i32
      %add3A_409 = arith.addi %add3A_380, %add3A_408 : i32
      %lt3A_410 = arith.constant 400 : i32
      %lt3A_411 = arith.cmpi slt, %add3A_409, %lt3A_410 : i32
      %convert_element_type3A_412 = arith.extui %lt3A_411 : i1 to i32
      %cond3A_413 = arith.constant 0 : i32
      %cond3A_414 = arith.cmpi ne, %convert_element_type3A_412, %cond3A_413 : i32
      scf.if %cond3A_414 {
        %ge3A = arith.constant 4 : i32
        %ge3A_595 = arith.cmpi sge, %add3A_380, %ge3A : i32
        %convert_element_type3A_596 = arith.extui %ge3A_595 : i1 to i32
        %cond3A_597 = arith.constant 0 : i32
        %cond3A_598 = arith.cmpi ne, %convert_element_type3A_596, %cond3A_597 : i32
        scf.if %cond3A_598 {
          %add3A_612 = arith.constant 6 : i32
          %add3A_613 = arith.addi %add3A_380, %add3A_612 : i32
          %sub3A = arith.constant 10 : i32
          %sub3A_614 = arith.subi %add3A_613, %sub3A : i32
          %mul3A_615 = arith.constant 64 : i32
          %mul3A_616 = arith.muli %sub3A_614, %mul3A_615 : i32
          %add3A_617 = arith.addi %mul3A_2, %mul3A_616 : i32
          %dma_wait3A_618 = arith.constant 0 : i32
          %dma_wait3A_619 = arith.constant 0 : i32
          %dma_wait3A_620 = arith.constant 0 : i32
          %dma_wait3A_621 = tpu.memref_slice %arg6[%dma_wait3A_618, %dma_wait3A_619, %dma_wait3A_620] : memref<10x64x128xf32, #tpu.memory_space<vmem>> -> memref<1x64x128xf32, #tpu.memory_space<vmem>>
          %dma_wait3A_622 = tpu.memref_squeeze %dma_wait3A_621 : memref<1x64x128xf32, #tpu.memory_space<vmem>> -> memref<64x128xf32, #tpu.memory_space<vmem>>
          %dma_wait3A_623 = arith.constant 0 : i32
          %dma_wait3A_624 = tpu.memref_slice %arg4[%add3A_617, %dma_wait3A_623] : memref<819200x128xf32, #tpu.memory_space<hbm>> -> memref<64x128xf32, #tpu.memory_space<hbm>>
          %dma_wait3A_625 = arith.constant 0 : i32
          %dma_wait3A_626 = tpu.memref_slice %arg4[%add3A_617, %dma_wait3A_625] : memref<819200x128xf32, #tpu.memory_space<hbm>> -> memref<64x128xf32, #tpu.memory_space<hbm>>
          %dma_wait3A_627 = arith.constant 0 : i32
          %dma_wait3A_628 = arith.constant 0 : i32
          %dma_wait3A_629 = tpu.memref_slice %arg6[%dma_wait3A_618, %dma_wait3A_627, %dma_wait3A_628] : memref<10x64x128xf32, #tpu.memory_space<vmem>> -> memref<1x64x128xf32, #tpu.memory_space<vmem>>
          %dma_wait3A_630 = tpu.memref_squeeze %dma_wait3A_629 : memref<1x64x128xf32, #tpu.memory_space<vmem>> -> memref<64x128xf32, #tpu.memory_space<vmem>>
          tpu.wait_dma2 semaphore(%arg18 : memref<!tpu.dma_semaphore, #tpu.memory_space<semaphore_mem>>) src(%dma_wait3A_630 : memref<64x128xf32, #tpu.memory_space<vmem>>) dst(%dma_wait3A_626 : memref<64x128xf32, #tpu.memory_space<hbm>>)
        } else {
        }
        %add3A_599 = arith.constant 6 : i32
        %add3A_600 = arith.addi %add3A_380, %add3A_599 : i32
        %mul3A_601 = arith.constant 64 : i32
        %mul3A_602 = arith.muli %add3A_600, %mul3A_601 : i32
        %dma_start3A_603 = arith.constant 0 : i32
        %dma_start3A_604 = arith.constant 0 : i32
        %dma_start3A_605 = arith.constant 0 : i32
        %dma_start3A_606 = tpu.memref_slice %arg6[%dma_start3A_603, %dma_start3A_604, %dma_start3A_605] : memref<10x64x128xf32, #tpu.memory_space<vmem>> -> memref<1x64x128xf32, #tpu.memory_space<vmem>>
        %dma_start3A_607 = tpu.memref_squeeze %dma_start3A_606 : memref<1x64x128xf32, #tpu.memory_space<vmem>> -> memref<64x128xf32, #tpu.memory_space<vmem>>
        %dma_start3A_608 = tpu.memref_slice %arg5[%mul3A_602] : memref<25600xi32, #tpu.memory_space<vmem>> -> memref<64xi32, #tpu.memory_space<vmem>>
        %dma_start3A_609 = arith.constant 0 : i32
        %dma_start3A_610 = arith.constant 0 : i32
        %dma_start3A_611 = tpu.memref_slice %arg7[%dma_start3A_609, %dma_start3A_610] : memref<1000x128xf32, #tpu.memory_space<vmem_shared>> -> memref<1000x128xf32, #tpu.memory_space<vmem_shared>>
        tpu.enqueue_indirect_dma source(%dma_start3A_611 : memref<1000x128xf32, #tpu.memory_space<vmem_shared>>) target(%dma_start3A_607 : memref<64x128xf32, #tpu.memory_space<vmem>>) offsets(%dma_start3A_608 : memref<64xi32, #tpu.memory_space<vmem>>) semaphore(%arg8 : memref<!tpu.dma_semaphore, #tpu.memory_space<semaphore_mem>>)
      } else {
      }
      %add3A_415 = arith.constant 5 : i32
      %add3A_416 = arith.addi %mul3A_234, %add3A_415 : i32
      %mul3A_417 = arith.constant 64 : i32
      %mul3A_418 = arith.muli %add3A_416, %mul3A_417 : i32
      %dma_wait3A_419 = arith.constant 5 : i32
      %dma_wait3A_420 = arith.constant 0 : i32
      %dma_wait3A_421 = arith.constant 0 : i32
      %dma_wait3A_422 = tpu.memref_slice %arg6[%dma_wait3A_419, %dma_wait3A_420, %dma_wait3A_421] : memref<10x64x128xf32, #tpu.memory_space<vmem>> -> memref<1x64x128xf32, #tpu.memory_space<vmem>>
      %dma_wait3A_423 = tpu.memref_squeeze %dma_wait3A_422 : memref<1x64x128xf32, #tpu.memory_space<vmem>> -> memref<64x128xf32, #tpu.memory_space<vmem>>
      %dma_wait3A_424 = tpu.memref_slice %arg5[%mul3A_418] : memref<25600xi32, #tpu.memory_space<vmem>> -> memref<64xi32, #tpu.memory_space<vmem>>
      %dma_wait3A_425 = arith.constant 0 : i32
      %dma_wait3A_426 = arith.constant 0 : i32
      %dma_wait3A_427 = tpu.memref_slice %arg7[%dma_wait3A_425, %dma_wait3A_426] : memref<1000x128xf32, #tpu.memory_space<vmem_shared>> -> memref<1000x128xf32, #tpu.memory_space<vmem_shared>>
      tpu.wait_indirect_dma semaphore(%arg13 : memref<!tpu.dma_semaphore, #tpu.memory_space<semaphore_mem>>) src(%dma_wait3A_427 : memref<1000x128xf32, #tpu.memory_space<vmem_shared>>) dst(%dma_wait3A_423 : memref<64x128xf32, #tpu.memory_space<vmem>>)
      %mul3A_428 = arith.constant 64 : i32
      %mul3A_429 = arith.muli %add3A_416, %mul3A_428 : i32
      %add3A_430 = arith.addi %mul3A_2, %mul3A_429 : i32
      %dma_start3A_431 = arith.constant 5 : i32
      %dma_start3A_432 = arith.constant 0 : i32
      %dma_start3A_433 = arith.constant 0 : i32
      %dma_start3A_434 = tpu.memref_slice %arg6[%dma_start3A_431, %dma_start3A_432, %dma_start3A_433] : memref<10x64x128xf32, #tpu.memory_space<vmem>> -> memref<1x64x128xf32, #tpu.memory_space<vmem>>
      %dma_start3A_435 = tpu.memref_squeeze %dma_start3A_434 : memref<1x64x128xf32, #tpu.memory_space<vmem>> -> memref<64x128xf32, #tpu.memory_space<vmem>>
      %dma_start3A_436 = arith.constant 0 : i32
      %dma_start3A_437 = tpu.memref_slice %arg4[%add3A_430, %dma_start3A_436] : memref<819200x128xf32, #tpu.memory_space<hbm>> -> memref<64x128xf32, #tpu.memory_space<hbm>>
      %dma_start3A_438 = arith.constant 0 : i32
      %dma_start3A_439 = tpu.memref_slice %arg4[%add3A_430, %dma_start3A_438] : memref<819200x128xf32, #tpu.memory_space<hbm>> -> memref<64x128xf32, #tpu.memory_space<hbm>>
      %dma_start3A_440 = arith.constant 0 : i32
      %dma_start3A_441 = arith.constant 0 : i32
      %dma_start3A_442 = tpu.memref_slice %arg6[%dma_start3A_431, %dma_start3A_440, %dma_start3A_441] : memref<10x64x128xf32, #tpu.memory_space<vmem>> -> memref<1x64x128xf32, #tpu.memory_space<vmem>>
      %dma_start3A_443 = tpu.memref_squeeze %dma_start3A_442 : memref<1x64x128xf32, #tpu.memory_space<vmem>> -> memref<64x128xf32, #tpu.memory_space<vmem>>
      tpu.enqueue_dma source(%dma_start3A_443 : memref<64x128xf32, #tpu.memory_space<vmem>>) target(%dma_start3A_439 : memref<64x128xf32, #tpu.memory_space<hbm>>) target_semaphore(%arg23 : memref<!tpu.dma_semaphore, #tpu.memory_space<semaphore_mem>>)
      %add3A_444 = arith.constant 6 : i32
      %add3A_445 = arith.addi %add3A_416, %add3A_444 : i32
      %lt3A_446 = arith.constant 400 : i32
      %lt3A_447 = arith.cmpi slt, %add3A_445, %lt3A_446 : i32
      %convert_element_type3A_448 = arith.extui %lt3A_447 : i1 to i32
      %cond3A_449 = arith.constant 0 : i32
      %cond3A_450 = arith.cmpi ne, %convert_element_type3A_448, %cond3A_449 : i32
      scf.if %cond3A_450 {
        %ge3A = arith.constant 4 : i32
        %ge3A_595 = arith.cmpi sge, %add3A_416, %ge3A : i32
        %convert_element_type3A_596 = arith.extui %ge3A_595 : i1 to i32
        %cond3A_597 = arith.constant 0 : i32
        %cond3A_598 = arith.cmpi ne, %convert_element_type3A_596, %cond3A_597 : i32
        scf.if %cond3A_598 {
          %add3A_612 = arith.constant 6 : i32
          %add3A_613 = arith.addi %add3A_416, %add3A_612 : i32
          %sub3A = arith.constant 10 : i32
          %sub3A_614 = arith.subi %add3A_613, %sub3A : i32
          %mul3A_615 = arith.constant 64 : i32
          %mul3A_616 = arith.muli %sub3A_614, %mul3A_615 : i32
          %add3A_617 = arith.addi %mul3A_2, %mul3A_616 : i32
          %dma_wait3A_618 = arith.constant 1 : i32
          %dma_wait3A_619 = arith.constant 0 : i32
          %dma_wait3A_620 = arith.constant 0 : i32
          %dma_wait3A_621 = tpu.memref_slice %arg6[%dma_wait3A_618, %dma_wait3A_619, %dma_wait3A_620] : memref<10x64x128xf32, #tpu.memory_space<vmem>> -> memref<1x64x128xf32, #tpu.memory_space<vmem>>
          %dma_wait3A_622 = tpu.memref_squeeze %dma_wait3A_621 : memref<1x64x128xf32, #tpu.memory_space<vmem>> -> memref<64x128xf32, #tpu.memory_space<vmem>>
          %dma_wait3A_623 = arith.constant 0 : i32
          %dma_wait3A_624 = tpu.memref_slice %arg4[%add3A_617, %dma_wait3A_623] : memref<819200x128xf32, #tpu.memory_space<hbm>> -> memref<64x128xf32, #tpu.memory_space<hbm>>
          %dma_wait3A_625 = arith.constant 0 : i32
          %dma_wait3A_626 = tpu.memref_slice %arg4[%add3A_617, %dma_wait3A_625] : memref<819200x128xf32, #tpu.memory_space<hbm>> -> memref<64x128xf32, #tpu.memory_space<hbm>>
          %dma_wait3A_627 = arith.constant 0 : i32
          %dma_wait3A_628 = arith.constant 0 : i32
          %dma_wait3A_629 = tpu.memref_slice %arg6[%dma_wait3A_618, %dma_wait3A_627, %dma_wait3A_628] : memref<10x64x128xf32, #tpu.memory_space<vmem>> -> memref<1x64x128xf32, #tpu.memory_space<vmem>>
          %dma_wait3A_630 = tpu.memref_squeeze %dma_wait3A_629 : memref<1x64x128xf32, #tpu.memory_space<vmem>> -> memref<64x128xf32, #tpu.memory_space<vmem>>
          tpu.wait_dma2 semaphore(%arg19 : memref<!tpu.dma_semaphore, #tpu.memory_space<semaphore_mem>>) src(%dma_wait3A_630 : memref<64x128xf32, #tpu.memory_space<vmem>>) dst(%dma_wait3A_626 : memref<64x128xf32, #tpu.memory_space<hbm>>)
        } else {
        }
        %add3A_599 = arith.constant 6 : i32
        %add3A_600 = arith.addi %add3A_416, %add3A_599 : i32
        %mul3A_601 = arith.constant 64 : i32
        %mul3A_602 = arith.muli %add3A_600, %mul3A_601 : i32
        %dma_start3A_603 = arith.constant 1 : i32
        %dma_start3A_604 = arith.constant 0 : i32
        %dma_start3A_605 = arith.constant 0 : i32
        %dma_start3A_606 = tpu.memref_slice %arg6[%dma_start3A_603, %dma_start3A_604, %dma_start3A_605] : memref<10x64x128xf32, #tpu.memory_space<vmem>> -> memref<1x64x128xf32, #tpu.memory_space<vmem>>
        %dma_start3A_607 = tpu.memref_squeeze %dma_start3A_606 : memref<1x64x128xf32, #tpu.memory_space<vmem>> -> memref<64x128xf32, #tpu.memory_space<vmem>>
        %dma_start3A_608 = tpu.memref_slice %arg5[%mul3A_602] : memref<25600xi32, #tpu.memory_space<vmem>> -> memref<64xi32, #tpu.memory_space<vmem>>
        %dma_start3A_609 = arith.constant 0 : i32
        %dma_start3A_610 = arith.constant 0 : i32
        %dma_start3A_611 = tpu.memref_slice %arg7[%dma_start3A_609, %dma_start3A_610] : memref<1000x128xf32, #tpu.memory_space<vmem_shared>> -> memref<1000x128xf32, #tpu.memory_space<vmem_shared>>
        tpu.enqueue_indirect_dma source(%dma_start3A_611 : memref<1000x128xf32, #tpu.memory_space<vmem_shared>>) target(%dma_start3A_607 : memref<64x128xf32, #tpu.memory_space<vmem>>) offsets(%dma_start3A_608 : memref<64xi32, #tpu.memory_space<vmem>>) semaphore(%arg9 : memref<!tpu.dma_semaphore, #tpu.memory_space<semaphore_mem>>)
      } else {
      }
      %add3A_451 = arith.constant 6 : i32
      %add3A_452 = arith.addi %mul3A_234, %add3A_451 : i32
      %mul3A_453 = arith.constant 64 : i32
      %mul3A_454 = arith.muli %add3A_452, %mul3A_453 : i32
      %dma_wait3A_455 = arith.constant 6 : i32
      %dma_wait3A_456 = arith.constant 0 : i32
      %dma_wait3A_457 = arith.constant 0 : i32
      %dma_wait3A_458 = tpu.memref_slice %arg6[%dma_wait3A_455, %dma_wait3A_456, %dma_wait3A_457] : memref<10x64x128xf32, #tpu.memory_space<vmem>> -> memref<1x64x128xf32, #tpu.memory_space<vmem>>
      %dma_wait3A_459 = tpu.memref_squeeze %dma_wait3A_458 : memref<1x64x128xf32, #tpu.memory_space<vmem>> -> memref<64x128xf32, #tpu.memory_space<vmem>>
      %dma_wait3A_460 = tpu.memref_slice %arg5[%mul3A_454] : memref<25600xi32, #tpu.memory_space<vmem>> -> memref<64xi32, #tpu.memory_space<vmem>>
      %dma_wait3A_461 = arith.constant 0 : i32
      %dma_wait3A_462 = arith.constant 0 : i32
      %dma_wait3A_463 = tpu.memref_slice %arg7[%dma_wait3A_461, %dma_wait3A_462] : memref<1000x128xf32, #tpu.memory_space<vmem_shared>> -> memref<1000x128xf32, #tpu.memory_space<vmem_shared>>
      tpu.wait_indirect_dma semaphore(%arg14 : memref<!tpu.dma_semaphore, #tpu.memory_space<semaphore_mem>>) src(%dma_wait3A_463 : memref<1000x128xf32, #tpu.memory_space<vmem_shared>>) dst(%dma_wait3A_459 : memref<64x128xf32, #tpu.memory_space<vmem>>)
      %mul3A_464 = arith.constant 64 : i32
      %mul3A_465 = arith.muli %add3A_452, %mul3A_464 : i32
      %add3A_466 = arith.addi %mul3A_2, %mul3A_465 : i32
      %dma_start3A_467 = arith.constant 6 : i32
      %dma_start3A_468 = arith.constant 0 : i32
      %dma_start3A_469 = arith.constant 0 : i32
      %dma_start3A_470 = tpu.memref_slice %arg6[%dma_start3A_467, %dma_start3A_468, %dma_start3A_469] : memref<10x64x128xf32, #tpu.memory_space<vmem>> -> memref<1x64x128xf32, #tpu.memory_space<vmem>>
      %dma_start3A_471 = tpu.memref_squeeze %dma_start3A_470 : memref<1x64x128xf32, #tpu.memory_space<vmem>> -> memref<64x128xf32, #tpu.memory_space<vmem>>
      %dma_start3A_472 = arith.constant 0 : i32
      %dma_start3A_473 = tpu.memref_slice %arg4[%add3A_466, %dma_start3A_472] : memref<819200x128xf32, #tpu.memory_space<hbm>> -> memref<64x128xf32, #tpu.memory_space<hbm>>
      %dma_start3A_474 = arith.constant 0 : i32
      %dma_start3A_475 = tpu.memref_slice %arg4[%add3A_466, %dma_start3A_474] : memref<819200x128xf32, #tpu.memory_space<hbm>> -> memref<64x128xf32, #tpu.memory_space<hbm>>
      %dma_start3A_476 = arith.constant 0 : i32
      %dma_start3A_477 = arith.constant 0 : i32
      %dma_start3A_478 = tpu.memref_slice %arg6[%dma_start3A_467, %dma_start3A_476, %dma_start3A_477] : memref<10x64x128xf32, #tpu.memory_space<vmem>> -> memref<1x64x128xf32, #tpu.memory_space<vmem>>
      %dma_start3A_479 = tpu.memref_squeeze %dma_start3A_478 : memref<1x64x128xf32, #tpu.memory_space<vmem>> -> memref<64x128xf32, #tpu.memory_space<vmem>>
      tpu.enqueue_dma source(%dma_start3A_479 : memref<64x128xf32, #tpu.memory_space<vmem>>) target(%dma_start3A_475 : memref<64x128xf32, #tpu.memory_space<hbm>>) target_semaphore(%arg24 : memref<!tpu.dma_semaphore, #tpu.memory_space<semaphore_mem>>)
      %add3A_480 = arith.constant 6 : i32
      %add3A_481 = arith.addi %add3A_452, %add3A_480 : i32
      %lt3A_482 = arith.constant 400 : i32
      %lt3A_483 = arith.cmpi slt, %add3A_481, %lt3A_482 : i32
      %convert_element_type3A_484 = arith.extui %lt3A_483 : i1 to i32
      %cond3A_485 = arith.constant 0 : i32
      %cond3A_486 = arith.cmpi ne, %convert_element_type3A_484, %cond3A_485 : i32
      scf.if %cond3A_486 {
        %ge3A = arith.constant 4 : i32
        %ge3A_595 = arith.cmpi sge, %add3A_452, %ge3A : i32
        %convert_element_type3A_596 = arith.extui %ge3A_595 : i1 to i32
        %cond3A_597 = arith.constant 0 : i32
        %cond3A_598 = arith.cmpi ne, %convert_element_type3A_596, %cond3A_597 : i32
        scf.if %cond3A_598 {
          %add3A_612 = arith.constant 6 : i32
          %add3A_613 = arith.addi %add3A_452, %add3A_612 : i32
          %sub3A = arith.constant 10 : i32
          %sub3A_614 = arith.subi %add3A_613, %sub3A : i32
          %mul3A_615 = arith.constant 64 : i32
          %mul3A_616 = arith.muli %sub3A_614, %mul3A_615 : i32
          %add3A_617 = arith.addi %mul3A_2, %mul3A_616 : i32
          %dma_wait3A_618 = arith.constant 2 : i32
          %dma_wait3A_619 = arith.constant 0 : i32
          %dma_wait3A_620 = arith.constant 0 : i32
          %dma_wait3A_621 = tpu.memref_slice %arg6[%dma_wait3A_618, %dma_wait3A_619, %dma_wait3A_620] : memref<10x64x128xf32, #tpu.memory_space<vmem>> -> memref<1x64x128xf32, #tpu.memory_space<vmem>>
          %dma_wait3A_622 = tpu.memref_squeeze %dma_wait3A_621 : memref<1x64x128xf32, #tpu.memory_space<vmem>> -> memref<64x128xf32, #tpu.memory_space<vmem>>
          %dma_wait3A_623 = arith.constant 0 : i32
          %dma_wait3A_624 = tpu.memref_slice %arg4[%add3A_617, %dma_wait3A_623] : memref<819200x128xf32, #tpu.memory_space<hbm>> -> memref<64x128xf32, #tpu.memory_space<hbm>>
          %dma_wait3A_625 = arith.constant 0 : i32
          %dma_wait3A_626 = tpu.memref_slice %arg4[%add3A_617, %dma_wait3A_625] : memref<819200x128xf32, #tpu.memory_space<hbm>> -> memref<64x128xf32, #tpu.memory_space<hbm>>
          %dma_wait3A_627 = arith.constant 0 : i32
          %dma_wait3A_628 = arith.constant 0 : i32
          %dma_wait3A_629 = tpu.memref_slice %arg6[%dma_wait3A_618, %dma_wait3A_627, %dma_wait3A_628] : memref<10x64x128xf32, #tpu.memory_space<vmem>> -> memref<1x64x128xf32, #tpu.memory_space<vmem>>
          %dma_wait3A_630 = tpu.memref_squeeze %dma_wait3A_629 : memref<1x64x128xf32, #tpu.memory_space<vmem>> -> memref<64x128xf32, #tpu.memory_space<vmem>>
          tpu.wait_dma2 semaphore(%arg20 : memref<!tpu.dma_semaphore, #tpu.memory_space<semaphore_mem>>) src(%dma_wait3A_630 : memref<64x128xf32, #tpu.memory_space<vmem>>) dst(%dma_wait3A_626 : memref<64x128xf32, #tpu.memory_space<hbm>>)
        } else {
        }
        %add3A_599 = arith.constant 6 : i32
        %add3A_600 = arith.addi %add3A_452, %add3A_599 : i32
        %mul3A_601 = arith.constant 64 : i32
        %mul3A_602 = arith.muli %add3A_600, %mul3A_601 : i32
        %dma_start3A_603 = arith.constant 2 : i32
        %dma_start3A_604 = arith.constant 0 : i32
        %dma_start3A_605 = arith.constant 0 : i32
        %dma_start3A_606 = tpu.memref_slice %arg6[%dma_start3A_603, %dma_start3A_604, %dma_start3A_605] : memref<10x64x128xf32, #tpu.memory_space<vmem>> -> memref<1x64x128xf32, #tpu.memory_space<vmem>>
        %dma_start3A_607 = tpu.memref_squeeze %dma_start3A_606 : memref<1x64x128xf32, #tpu.memory_space<vmem>> -> memref<64x128xf32, #tpu.memory_space<vmem>>
        %dma_start3A_608 = tpu.memref_slice %arg5[%mul3A_602] : memref<25600xi32, #tpu.memory_space<vmem>> -> memref<64xi32, #tpu.memory_space<vmem>>
        %dma_start3A_609 = arith.constant 0 : i32
        %dma_start3A_610 = arith.constant 0 : i32
        %dma_start3A_611 = tpu.memref_slice %arg7[%dma_start3A_609, %dma_start3A_610] : memref<1000x128xf32, #tpu.memory_space<vmem_shared>> -> memref<1000x128xf32, #tpu.memory_space<vmem_shared>>
        tpu.enqueue_indirect_dma source(%dma_start3A_611 : memref<1000x128xf32, #tpu.memory_space<vmem_shared>>) target(%dma_start3A_607 : memref<64x128xf32, #tpu.memory_space<vmem>>) offsets(%dma_start3A_608 : memref<64xi32, #tpu.memory_space<vmem>>) semaphore(%arg10 : memref<!tpu.dma_semaphore, #tpu.memory_space<semaphore_mem>>)
      } else {
      }
      %add3A_487 = arith.constant 7 : i32
      %add3A_488 = arith.addi %mul3A_234, %add3A_487 : i32
      %mul3A_489 = arith.constant 64 : i32
      %mul3A_490 = arith.muli %add3A_488, %mul3A_489 : i32
      %dma_wait3A_491 = arith.constant 7 : i32
      %dma_wait3A_492 = arith.constant 0 : i32
      %dma_wait3A_493 = arith.constant 0 : i32
      %dma_wait3A_494 = tpu.memref_slice %arg6[%dma_wait3A_491, %dma_wait3A_492, %dma_wait3A_493] : memref<10x64x128xf32, #tpu.memory_space<vmem>> -> memref<1x64x128xf32, #tpu.memory_space<vmem>>
      %dma_wait3A_495 = tpu.memref_squeeze %dma_wait3A_494 : memref<1x64x128xf32, #tpu.memory_space<vmem>> -> memref<64x128xf32, #tpu.memory_space<vmem>>
      %dma_wait3A_496 = tpu.memref_slice %arg5[%mul3A_490] : memref<25600xi32, #tpu.memory_space<vmem>> -> memref<64xi32, #tpu.memory_space<vmem>>
      %dma_wait3A_497 = arith.constant 0 : i32
      %dma_wait3A_498 = arith.constant 0 : i32
      %dma_wait3A_499 = tpu.memref_slice %arg7[%dma_wait3A_497, %dma_wait3A_498] : memref<1000x128xf32, #tpu.memory_space<vmem_shared>> -> memref<1000x128xf32, #tpu.memory_space<vmem_shared>>
      tpu.wait_indirect_dma semaphore(%arg15 : memref<!tpu.dma_semaphore, #tpu.memory_space<semaphore_mem>>) src(%dma_wait3A_499 : memref<1000x128xf32, #tpu.memory_space<vmem_shared>>) dst(%dma_wait3A_495 : memref<64x128xf32, #tpu.memory_space<vmem>>)
      %mul3A_500 = arith.constant 64 : i32
      %mul3A_501 = arith.muli %add3A_488, %mul3A_500 : i32
      %add3A_502 = arith.addi %mul3A_2, %mul3A_501 : i32
      %dma_start3A_503 = arith.constant 7 : i32
      %dma_start3A_504 = arith.constant 0 : i32
      %dma_start3A_505 = arith.constant 0 : i32
      %dma_start3A_506 = tpu.memref_slice %arg6[%dma_start3A_503, %dma_start3A_504, %dma_start3A_505] : memref<10x64x128xf32, #tpu.memory_space<vmem>> -> memref<1x64x128xf32, #tpu.memory_space<vmem>>
      %dma_start3A_507 = tpu.memref_squeeze %dma_start3A_506 : memref<1x64x128xf32, #tpu.memory_space<vmem>> -> memref<64x128xf32, #tpu.memory_space<vmem>>
      %dma_start3A_508 = arith.constant 0 : i32
      %dma_start3A_509 = tpu.memref_slice %arg4[%add3A_502, %dma_start3A_508] : memref<819200x128xf32, #tpu.memory_space<hbm>> -> memref<64x128xf32, #tpu.memory_space<hbm>>
      %dma_start3A_510 = arith.constant 0 : i32
      %dma_start3A_511 = tpu.memref_slice %arg4[%add3A_502, %dma_start3A_510] : memref<819200x128xf32, #tpu.memory_space<hbm>> -> memref<64x128xf32, #tpu.memory_space<hbm>>
      %dma_start3A_512 = arith.constant 0 : i32
      %dma_start3A_513 = arith.constant 0 : i32
      %dma_start3A_514 = tpu.memref_slice %arg6[%dma_start3A_503, %dma_start3A_512, %dma_start3A_513] : memref<10x64x128xf32, #tpu.memory_space<vmem>> -> memref<1x64x128xf32, #tpu.memory_space<vmem>>
      %dma_start3A_515 = tpu.memref_squeeze %dma_start3A_514 : memref<1x64x128xf32, #tpu.memory_space<vmem>> -> memref<64x128xf32, #tpu.memory_space<vmem>>
      tpu.enqueue_dma source(%dma_start3A_515 : memref<64x128xf32, #tpu.memory_space<vmem>>) target(%dma_start3A_511 : memref<64x128xf32, #tpu.memory_space<hbm>>) target_semaphore(%arg25 : memref<!tpu.dma_semaphore, #tpu.memory_space<semaphore_mem>>)
      %add3A_516 = arith.constant 6 : i32
      %add3A_517 = arith.addi %add3A_488, %add3A_516 : i32
      %lt3A_518 = arith.constant 400 : i32
      %lt3A_519 = arith.cmpi slt, %add3A_517, %lt3A_518 : i32
      %convert_element_type3A_520 = arith.extui %lt3A_519 : i1 to i32
      %cond3A_521 = arith.constant 0 : i32
      %cond3A_522 = arith.cmpi ne, %convert_element_type3A_520, %cond3A_521 : i32
      scf.if %cond3A_522 {
        %ge3A = arith.constant 4 : i32
        %ge3A_595 = arith.cmpi sge, %add3A_488, %ge3A : i32
        %convert_element_type3A_596 = arith.extui %ge3A_595 : i1 to i32
        %cond3A_597 = arith.constant 0 : i32
        %cond3A_598 = arith.cmpi ne, %convert_element_type3A_596, %cond3A_597 : i32
        scf.if %cond3A_598 {
          %add3A_612 = arith.constant 6 : i32
          %add3A_613 = arith.addi %add3A_488, %add3A_612 : i32
          %sub3A = arith.constant 10 : i32
          %sub3A_614 = arith.subi %add3A_613, %sub3A : i32
          %mul3A_615 = arith.constant 64 : i32
          %mul3A_616 = arith.muli %sub3A_614, %mul3A_615 : i32
          %add3A_617 = arith.addi %mul3A_2, %mul3A_616 : i32
          %dma_wait3A_618 = arith.constant 3 : i32
          %dma_wait3A_619 = arith.constant 0 : i32
          %dma_wait3A_620 = arith.constant 0 : i32
          %dma_wait3A_621 = tpu.memref_slice %arg6[%dma_wait3A_618, %dma_wait3A_619, %dma_wait3A_620] : memref<10x64x128xf32, #tpu.memory_space<vmem>> -> memref<1x64x128xf32, #tpu.memory_space<vmem>>
          %dma_wait3A_622 = tpu.memref_squeeze %dma_wait3A_621 : memref<1x64x128xf32, #tpu.memory_space<vmem>> -> memref<64x128xf32, #tpu.memory_space<vmem>>
          %dma_wait3A_623 = arith.constant 0 : i32
          %dma_wait3A_624 = tpu.memref_slice %arg4[%add3A_617, %dma_wait3A_623] : memref<819200x128xf32, #tpu.memory_space<hbm>> -> memref<64x128xf32, #tpu.memory_space<hbm>>
          %dma_wait3A_625 = arith.constant 0 : i32
          %dma_wait3A_626 = tpu.memref_slice %arg4[%add3A_617, %dma_wait3A_625] : memref<819200x128xf32, #tpu.memory_space<hbm>> -> memref<64x128xf32, #tpu.memory_space<hbm>>
          %dma_wait3A_627 = arith.constant 0 : i32
          %dma_wait3A_628 = arith.constant 0 : i32
          %dma_wait3A_629 = tpu.memref_slice %arg6[%dma_wait3A_618, %dma_wait3A_627, %dma_wait3A_628] : memref<10x64x128xf32, #tpu.memory_space<vmem>> -> memref<1x64x128xf32, #tpu.memory_space<vmem>>
          %dma_wait3A_630 = tpu.memref_squeeze %dma_wait3A_629 : memref<1x64x128xf32, #tpu.memory_space<vmem>> -> memref<64x128xf32, #tpu.memory_space<vmem>>
          tpu.wait_dma2 semaphore(%arg21 : memref<!tpu.dma_semaphore, #tpu.memory_space<semaphore_mem>>) src(%dma_wait3A_630 : memref<64x128xf32, #tpu.memory_space<vmem>>) dst(%dma_wait3A_626 : memref<64x128xf32, #tpu.memory_space<hbm>>)
        } else {
        }
        %add3A_599 = arith.constant 6 : i32
        %add3A_600 = arith.addi %add3A_488, %add3A_599 : i32
        %mul3A_601 = arith.constant 64 : i32
        %mul3A_602 = arith.muli %add3A_600, %mul3A_601 : i32
        %dma_start3A_603 = arith.constant 3 : i32
        %dma_start3A_604 = arith.constant 0 : i32
        %dma_start3A_605 = arith.constant 0 : i32
        %dma_start3A_606 = tpu.memref_slice %arg6[%dma_start3A_603, %dma_start3A_604, %dma_start3A_605] : memref<10x64x128xf32, #tpu.memory_space<vmem>> -> memref<1x64x128xf32, #tpu.memory_space<vmem>>
        %dma_start3A_607 = tpu.memref_squeeze %dma_start3A_606 : memref<1x64x128xf32, #tpu.memory_space<vmem>> -> memref<64x128xf32, #tpu.memory_space<vmem>>
        %dma_start3A_608 = tpu.memref_slice %arg5[%mul3A_602] : memref<25600xi32, #tpu.memory_space<vmem>> -> memref<64xi32, #tpu.memory_space<vmem>>
        %dma_start3A_609 = arith.constant 0 : i32
        %dma_start3A_610 = arith.constant 0 : i32
        %dma_start3A_611 = tpu.memref_slice %arg7[%dma_start3A_609, %dma_start3A_610] : memref<1000x128xf32, #tpu.memory_space<vmem_shared>> -> memref<1000x128xf32, #tpu.memory_space<vmem_shared>>
        tpu.enqueue_indirect_dma source(%dma_start3A_611 : memref<1000x128xf32, #tpu.memory_space<vmem_shared>>) target(%dma_start3A_607 : memref<64x128xf32, #tpu.memory_space<vmem>>) offsets(%dma_start3A_608 : memref<64xi32, #tpu.memory_space<vmem>>) semaphore(%arg11 : memref<!tpu.dma_semaphore, #tpu.memory_space<semaphore_mem>>)
      } else {
      }
      %add3A_523 = arith.constant 8 : i32
      %add3A_524 = arith.addi %mul3A_234, %add3A_523 : i32
      %mul3A_525 = arith.constant 64 : i32
      %mul3A_526 = arith.muli %add3A_524, %mul3A_525 : i32
      %dma_wait3A_527 = arith.constant 8 : i32
      %dma_wait3A_528 = arith.constant 0 : i32
      %dma_wait3A_529 = arith.constant 0 : i32
      %dma_wait3A_530 = tpu.memref_slice %arg6[%dma_wait3A_527, %dma_wait3A_528, %dma_wait3A_529] : memref<10x64x128xf32, #tpu.memory_space<vmem>> -> memref<1x64x128xf32, #tpu.memory_space<vmem>>
      %dma_wait3A_531 = tpu.memref_squeeze %dma_wait3A_530 : memref<1x64x128xf32, #tpu.memory_space<vmem>> -> memref<64x128xf32, #tpu.memory_space<vmem>>
      %dma_wait3A_532 = tpu.memref_slice %arg5[%mul3A_526] : memref<25600xi32, #tpu.memory_space<vmem>> -> memref<64xi32, #tpu.memory_space<vmem>>
      %dma_wait3A_533 = arith.constant 0 : i32
      %dma_wait3A_534 = arith.constant 0 : i32
      %dma_wait3A_535 = tpu.memref_slice %arg7[%dma_wait3A_533, %dma_wait3A_534] : memref<1000x128xf32, #tpu.memory_space<vmem_shared>> -> memref<1000x128xf32, #tpu.memory_space<vmem_shared>>
      tpu.wait_indirect_dma semaphore(%arg16 : memref<!tpu.dma_semaphore, #tpu.memory_space<semaphore_mem>>) src(%dma_wait3A_535 : memref<1000x128xf32, #tpu.memory_space<vmem_shared>>) dst(%dma_wait3A_531 : memref<64x128xf32, #tpu.memory_space<vmem>>)
      %mul3A_536 = arith.constant 64 : i32
      %mul3A_537 = arith.muli %add3A_524, %mul3A_536 : i32
      %add3A_538 = arith.addi %mul3A_2, %mul3A_537 : i32
      %dma_start3A_539 = arith.constant 8 : i32
      %dma_start3A_540 = arith.constant 0 : i32
      %dma_start3A_541 = arith.constant 0 : i32
      %dma_start3A_542 = tpu.memref_slice %arg6[%dma_start3A_539, %dma_start3A_540, %dma_start3A_541] : memref<10x64x128xf32, #tpu.memory_space<vmem>> -> memref<1x64x128xf32, #tpu.memory_space<vmem>>
      %dma_start3A_543 = tpu.memref_squeeze %dma_start3A_542 : memref<1x64x128xf32, #tpu.memory_space<vmem>> -> memref<64x128xf32, #tpu.memory_space<vmem>>
      %dma_start3A_544 = arith.constant 0 : i32
      %dma_start3A_545 = tpu.memref_slice %arg4[%add3A_538, %dma_start3A_544] : memref<819200x128xf32, #tpu.memory_space<hbm>> -> memref<64x128xf32, #tpu.memory_space<hbm>>
      %dma_start3A_546 = arith.constant 0 : i32
      %dma_start3A_547 = tpu.memref_slice %arg4[%add3A_538, %dma_start3A_546] : memref<819200x128xf32, #tpu.memory_space<hbm>> -> memref<64x128xf32, #tpu.memory_space<hbm>>
      %dma_start3A_548 = arith.constant 0 : i32
      %dma_start3A_549 = arith.constant 0 : i32
      %dma_start3A_550 = tpu.memref_slice %arg6[%dma_start3A_539, %dma_start3A_548, %dma_start3A_549] : memref<10x64x128xf32, #tpu.memory_space<vmem>> -> memref<1x64x128xf32, #tpu.memory_space<vmem>>
      %dma_start3A_551 = tpu.memref_squeeze %dma_start3A_550 : memref<1x64x128xf32, #tpu.memory_space<vmem>> -> memref<64x128xf32, #tpu.memory_space<vmem>>
      tpu.enqueue_dma source(%dma_start3A_551 : memref<64x128xf32, #tpu.memory_space<vmem>>) target(%dma_start3A_547 : memref<64x128xf32, #tpu.memory_space<hbm>>) target_semaphore(%arg26 : memref<!tpu.dma_semaphore, #tpu.memory_space<semaphore_mem>>)
      %add3A_552 = arith.constant 6 : i32
      %add3A_553 = arith.addi %add3A_524, %add3A_552 : i32
      %lt3A_554 = arith.constant 400 : i32
      %lt3A_555 = arith.cmpi slt, %add3A_553, %lt3A_554 : i32
      %convert_element_type3A_556 = arith.extui %lt3A_555 : i1 to i32
      %cond3A_557 = arith.constant 0 : i32
      %cond3A_558 = arith.cmpi ne, %convert_element_type3A_556, %cond3A_557 : i32
      scf.if %cond3A_558 {
        %ge3A = arith.constant 4 : i32
        %ge3A_595 = arith.cmpi sge, %add3A_524, %ge3A : i32
        %convert_element_type3A_596 = arith.extui %ge3A_595 : i1 to i32
        %cond3A_597 = arith.constant 0 : i32
        %cond3A_598 = arith.cmpi ne, %convert_element_type3A_596, %cond3A_597 : i32
        scf.if %cond3A_598 {
          %add3A_612 = arith.constant 6 : i32
          %add3A_613 = arith.addi %add3A_524, %add3A_612 : i32
          %sub3A = arith.constant 10 : i32
          %sub3A_614 = arith.subi %add3A_613, %sub3A : i32
          %mul3A_615 = arith.constant 64 : i32
          %mul3A_616 = arith.muli %sub3A_614, %mul3A_615 : i32
          %add3A_617 = arith.addi %mul3A_2, %mul3A_616 : i32
          %dma_wait3A_618 = arith.constant 4 : i32
          %dma_wait3A_619 = arith.constant 0 : i32
          %dma_wait3A_620 = arith.constant 0 : i32
          %dma_wait3A_621 = tpu.memref_slice %arg6[%dma_wait3A_618, %dma_wait3A_619, %dma_wait3A_620] : memref<10x64x128xf32, #tpu.memory_space<vmem>> -> memref<1x64x128xf32, #tpu.memory_space<vmem>>
          %dma_wait3A_622 = tpu.memref_squeeze %dma_wait3A_621 : memref<1x64x128xf32, #tpu.memory_space<vmem>> -> memref<64x128xf32, #tpu.memory_space<vmem>>
          %dma_wait3A_623 = arith.constant 0 : i32
          %dma_wait3A_624 = tpu.memref_slice %arg4[%add3A_617, %dma_wait3A_623] : memref<819200x128xf32, #tpu.memory_space<hbm>> -> memref<64x128xf32, #tpu.memory_space<hbm>>
          %dma_wait3A_625 = arith.constant 0 : i32
          %dma_wait3A_626 = tpu.memref_slice %arg4[%add3A_617, %dma_wait3A_625] : memref<819200x128xf32, #tpu.memory_space<hbm>> -> memref<64x128xf32, #tpu.memory_space<hbm>>
          %dma_wait3A_627 = arith.constant 0 : i32
          %dma_wait3A_628 = arith.constant 0 : i32
          %dma_wait3A_629 = tpu.memref_slice %arg6[%dma_wait3A_618, %dma_wait3A_627, %dma_wait3A_628] : memref<10x64x128xf32, #tpu.memory_space<vmem>> -> memref<1x64x128xf32, #tpu.memory_space<vmem>>
          %dma_wait3A_630 = tpu.memref_squeeze %dma_wait3A_629 : memref<1x64x128xf32, #tpu.memory_space<vmem>> -> memref<64x128xf32, #tpu.memory_space<vmem>>
          tpu.wait_dma2 semaphore(%arg22 : memref<!tpu.dma_semaphore, #tpu.memory_space<semaphore_mem>>) src(%dma_wait3A_630 : memref<64x128xf32, #tpu.memory_space<vmem>>) dst(%dma_wait3A_626 : memref<64x128xf32, #tpu.memory_space<hbm>>)
        } else {
        }
        %add3A_599 = arith.constant 6 : i32
        %add3A_600 = arith.addi %add3A_524, %add3A_599 : i32
        %mul3A_601 = arith.constant 64 : i32
        %mul3A_602 = arith.muli %add3A_600, %mul3A_601 : i32
        %dma_start3A_603 = arith.constant 4 : i32
        %dma_start3A_604 = arith.constant 0 : i32
        %dma_start3A_605 = arith.constant 0 : i32
        %dma_start3A_606 = tpu.memref_slice %arg6[%dma_start3A_603, %dma_start3A_604, %dma_start3A_605] : memref<10x64x128xf32, #tpu.memory_space<vmem>> -> memref<1x64x128xf32, #tpu.memory_space<vmem>>
        %dma_start3A_607 = tpu.memref_squeeze %dma_start3A_606 : memref<1x64x128xf32, #tpu.memory_space<vmem>> -> memref<64x128xf32, #tpu.memory_space<vmem>>
        %dma_start3A_608 = tpu.memref_slice %arg5[%mul3A_602] : memref<25600xi32, #tpu.memory_space<vmem>> -> memref<64xi32, #tpu.memory_space<vmem>>
        %dma_start3A_609 = arith.constant 0 : i32
        %dma_start3A_610 = arith.constant 0 : i32
        %dma_start3A_611 = tpu.memref_slice %arg7[%dma_start3A_609, %dma_start3A_610] : memref<1000x128xf32, #tpu.memory_space<vmem_shared>> -> memref<1000x128xf32, #tpu.memory_space<vmem_shared>>
        tpu.enqueue_indirect_dma source(%dma_start3A_611 : memref<1000x128xf32, #tpu.memory_space<vmem_shared>>) target(%dma_start3A_607 : memref<64x128xf32, #tpu.memory_space<vmem>>) offsets(%dma_start3A_608 : memref<64xi32, #tpu.memory_space<vmem>>) semaphore(%arg12 : memref<!tpu.dma_semaphore, #tpu.memory_space<semaphore_mem>>)
      } else {
      }
      %add3A_559 = arith.constant 9 : i32
      %add3A_560 = arith.addi %mul3A_234, %add3A_559 : i32
      %mul3A_561 = arith.constant 64 : i32
      %mul3A_562 = arith.muli %add3A_560, %mul3A_561 : i32
      %dma_wait3A_563 = arith.constant 9 : i32
      %dma_wait3A_564 = arith.constant 0 : i32
      %dma_wait3A_565 = arith.constant 0 : i32
      %dma_wait3A_566 = tpu.memref_slice %arg6[%dma_wait3A_563, %dma_wait3A_564, %dma_wait3A_565] : memref<10x64x128xf32, #tpu.memory_space<vmem>> -> memref<1x64x128xf32, #tpu.memory_space<vmem>>
      %dma_wait3A_567 = tpu.memref_squeeze %dma_wait3A_566 : memref<1x64x128xf32, #tpu.memory_space<vmem>> -> memref<64x128xf32, #tpu.memory_space<vmem>>
      %dma_wait3A_568 = tpu.memref_slice %arg5[%mul3A_562] : memref<25600xi32, #tpu.memory_space<vmem>> -> memref<64xi32, #tpu.memory_space<vmem>>
      %dma_wait3A_569 = arith.constant 0 : i32
      %dma_wait3A_570 = arith.constant 0 : i32
      %dma_wait3A_571 = tpu.memref_slice %arg7[%dma_wait3A_569, %dma_wait3A_570] : memref<1000x128xf32, #tpu.memory_space<vmem_shared>> -> memref<1000x128xf32, #tpu.memory_space<vmem_shared>>
      tpu.wait_indirect_dma semaphore(%arg17 : memref<!tpu.dma_semaphore, #tpu.memory_space<semaphore_mem>>) src(%dma_wait3A_571 : memref<1000x128xf32, #tpu.memory_space<vmem_shared>>) dst(%dma_wait3A_567 : memref<64x128xf32, #tpu.memory_space<vmem>>)
      %mul3A_572 = arith.constant 64 : i32
      %mul3A_573 = arith.muli %add3A_560, %mul3A_572 : i32
      %add3A_574 = arith.addi %mul3A_2, %mul3A_573 : i32
      %dma_start3A_575 = arith.constant 9 : i32
      %dma_start3A_576 = arith.constant 0 : i32
      %dma_start3A_577 = arith.constant 0 : i32
      %dma_start3A_578 = tpu.memref_slice %arg6[%dma_start3A_575, %dma_start3A_576, %dma_start3A_577] : memref<10x64x128xf32, #tpu.memory_space<vmem>> -> memref<1x64x128xf32, #tpu.memory_space<vmem>>
      %dma_start3A_579 = tpu.memref_squeeze %dma_start3A_578 : memref<1x64x128xf32, #tpu.memory_space<vmem>> -> memref<64x128xf32, #tpu.memory_space<vmem>>
      %dma_start3A_580 = arith.constant 0 : i32
      %dma_start3A_581 = tpu.memref_slice %arg4[%add3A_574, %dma_start3A_580] : memref<819200x128xf32, #tpu.memory_space<hbm>> -> memref<64x128xf32, #tpu.memory_space<hbm>>
      %dma_start3A_582 = arith.constant 0 : i32
      %dma_start3A_583 = tpu.memref_slice %arg4[%add3A_574, %dma_start3A_582] : memref<819200x128xf32, #tpu.memory_space<hbm>> -> memref<64x128xf32, #tpu.memory_space<hbm>>
      %dma_start3A_584 = arith.constant 0 : i32
      %dma_start3A_585 = arith.constant 0 : i32
      %dma_start3A_586 = tpu.memref_slice %arg6[%dma_start3A_575, %dma_start3A_584, %dma_start3A_585] : memref<10x64x128xf32, #tpu.memory_space<vmem>> -> memref<1x64x128xf32, #tpu.memory_space<vmem>>
      %dma_start3A_587 = tpu.memref_squeeze %dma_start3A_586 : memref<1x64x128xf32, #tpu.memory_space<vmem>> -> memref<64x128xf32, #tpu.memory_space<vmem>>
      tpu.enqueue_dma source(%dma_start3A_587 : memref<64x128xf32, #tpu.memory_space<vmem>>) target(%dma_start3A_583 : memref<64x128xf32, #tpu.memory_space<hbm>>) target_semaphore(%arg27 : memref<!tpu.dma_semaphore, #tpu.memory_space<semaphore_mem>>)
      %add3A_588 = arith.constant 6 : i32
      %add3A_589 = arith.addi %add3A_560, %add3A_588 : i32
      %lt3A_590 = arith.constant 400 : i32
      %lt3A_591 = arith.cmpi slt, %add3A_589, %lt3A_590 : i32
      %convert_element_type3A_592 = arith.extui %lt3A_591 : i1 to i32
      %cond3A_593 = arith.constant 0 : i32
      %cond3A_594 = arith.cmpi ne, %convert_element_type3A_592, %cond3A_593 : i32
      scf.if %cond3A_594 {
        %ge3A = arith.constant 4 : i32
        %ge3A_595 = arith.cmpi sge, %add3A_560, %ge3A : i32
        %convert_element_type3A_596 = arith.extui %ge3A_595 : i1 to i32
        %cond3A_597 = arith.constant 0 : i32
        %cond3A_598 = arith.cmpi ne, %convert_element_type3A_596, %cond3A_597 : i32
        scf.if %cond3A_598 {
          %add3A_612 = arith.constant 6 : i32
          %add3A_613 = arith.addi %add3A_560, %add3A_612 : i32
          %sub3A = arith.constant 10 : i32
          %sub3A_614 = arith.subi %add3A_613, %sub3A : i32
          %mul3A_615 = arith.constant 64 : i32
          %mul3A_616 = arith.muli %sub3A_614, %mul3A_615 : i32
          %add3A_617 = arith.addi %mul3A_2, %mul3A_616 : i32
          %dma_wait3A_618 = arith.constant 5 : i32
          %dma_wait3A_619 = arith.constant 0 : i32
          %dma_wait3A_620 = arith.constant 0 : i32
          %dma_wait3A_621 = tpu.memref_slice %arg6[%dma_wait3A_618, %dma_wait3A_619, %dma_wait3A_620] : memref<10x64x128xf32, #tpu.memory_space<vmem>> -> memref<1x64x128xf32, #tpu.memory_space<vmem>>
          %dma_wait3A_622 = tpu.memref_squeeze %dma_wait3A_621 : memref<1x64x128xf32, #tpu.memory_space<vmem>> -> memref<64x128xf32, #tpu.memory_space<vmem>>
          %dma_wait3A_623 = arith.constant 0 : i32
          %dma_wait3A_624 = tpu.memref_slice %arg4[%add3A_617, %dma_wait3A_623] : memref<819200x128xf32, #tpu.memory_space<hbm>> -> memref<64x128xf32, #tpu.memory_space<hbm>>
          %dma_wait3A_625 = arith.constant 0 : i32
          %dma_wait3A_626 = tpu.memref_slice %arg4[%add3A_617, %dma_wait3A_625] : memref<819200x128xf32, #tpu.memory_space<hbm>> -> memref<64x128xf32, #tpu.memory_space<hbm>>
          %dma_wait3A_627 = arith.constant 0 : i32
          %dma_wait3A_628 = arith.constant 0 : i32
          %dma_wait3A_629 = tpu.memref_slice %arg6[%dma_wait3A_618, %dma_wait3A_627, %dma_wait3A_628] : memref<10x64x128xf32, #tpu.memory_space<vmem>> -> memref<1x64x128xf32, #tpu.memory_space<vmem>>
          %dma_wait3A_630 = tpu.memref_squeeze %dma_wait3A_629 : memref<1x64x128xf32, #tpu.memory_space<vmem>> -> memref<64x128xf32, #tpu.memory_space<vmem>>
          tpu.wait_dma2 semaphore(%arg23 : memref<!tpu.dma_semaphore, #tpu.memory_space<semaphore_mem>>) src(%dma_wait3A_630 : memref<64x128xf32, #tpu.memory_space<vmem>>) dst(%dma_wait3A_626 : memref<64x128xf32, #tpu.memory_space<hbm>>)
        } else {
        }
        %add3A_599 = arith.constant 6 : i32
        %add3A_600 = arith.addi %add3A_560, %add3A_599 : i32
        %mul3A_601 = arith.constant 64 : i32
        %mul3A_602 = arith.muli %add3A_600, %mul3A_601 : i32
        %dma_start3A_603 = arith.constant 5 : i32
        %dma_start3A_604 = arith.constant 0 : i32
        %dma_start3A_605 = arith.constant 0 : i32
        %dma_start3A_606 = tpu.memref_slice %arg6[%dma_start3A_603, %dma_start3A_604, %dma_start3A_605] : memref<10x64x128xf32, #tpu.memory_space<vmem>> -> memref<1x64x128xf32, #tpu.memory_space<vmem>>
        %dma_start3A_607 = tpu.memref_squeeze %dma_start3A_606 : memref<1x64x128xf32, #tpu.memory_space<vmem>> -> memref<64x128xf32, #tpu.memory_space<vmem>>
        %dma_start3A_608 = tpu.memref_slice %arg5[%mul3A_602] : memref<25600xi32, #tpu.memory_space<vmem>> -> memref<64xi32, #tpu.memory_space<vmem>>
        %dma_start3A_609 = arith.constant 0 : i32
        %dma_start3A_610 = arith.constant 0 : i32
        %dma_start3A_611 = tpu.memref_slice %arg7[%dma_start3A_609, %dma_start3A_610] : memref<1000x128xf32, #tpu.memory_space<vmem_shared>> -> memref<1000x128xf32, #tpu.memory_space<vmem_shared>>
        tpu.enqueue_indirect_dma source(%dma_start3A_611 : memref<1000x128xf32, #tpu.memory_space<vmem_shared>>) target(%dma_start3A_607 : memref<64x128xf32, #tpu.memory_space<vmem>>) offsets(%dma_start3A_608 : memref<64xi32, #tpu.memory_space<vmem>>) semaphore(%arg13 : memref<!tpu.dma_semaphore, #tpu.memory_space<semaphore_mem>>)
      } else {
      }
    }
    %scan3A_82 = arith.constant 40 : i32
    %add3A_83 = arith.constant 24960 : i32
    %add3A_84 = arith.addi %mul3A_2, %add3A_83 : i32
    %dma_wait3A = arith.constant 0 : i32
    %dma_wait3A_85 = arith.constant 0 : i32
    %dma_wait3A_86 = arith.constant 0 : i32
    %dma_wait3A_87 = tpu.memref_slice %arg6[%dma_wait3A, %dma_wait3A_85, %dma_wait3A_86] : memref<10x64x128xf32, #tpu.memory_space<vmem>> -> memref<1x64x128xf32, #tpu.memory_space<vmem>>
    %dma_wait3A_88 = tpu.memref_squeeze %dma_wait3A_87 : memref<1x64x128xf32, #tpu.memory_space<vmem>> -> memref<64x128xf32, #tpu.memory_space<vmem>>
    %dma_wait3A_89 = arith.constant 0 : i32
    %dma_wait3A_90 = tpu.memref_slice %arg4[%add3A_84, %dma_wait3A_89] : memref<819200x128xf32, #tpu.memory_space<hbm>> -> memref<64x128xf32, #tpu.memory_space<hbm>>
    %dma_wait3A_91 = arith.constant 0 : i32
    %dma_wait3A_92 = tpu.memref_slice %arg4[%add3A_84, %dma_wait3A_91] : memref<819200x128xf32, #tpu.memory_space<hbm>> -> memref<64x128xf32, #tpu.memory_space<hbm>>
    %dma_wait3A_93 = arith.constant 0 : i32
    %dma_wait3A_94 = arith.constant 0 : i32
    %dma_wait3A_95 = tpu.memref_slice %arg6[%dma_wait3A, %dma_wait3A_93, %dma_wait3A_94] : memref<10x64x128xf32, #tpu.memory_space<vmem>> -> memref<1x64x128xf32, #tpu.memory_space<vmem>>
    %dma_wait3A_96 = tpu.memref_squeeze %dma_wait3A_95 : memref<1x64x128xf32, #tpu.memory_space<vmem>> -> memref<64x128xf32, #tpu.memory_space<vmem>>
    tpu.wait_dma2 semaphore(%arg18 : memref<!tpu.dma_semaphore, #tpu.memory_space<semaphore_mem>>) src(%dma_wait3A_96 : memref<64x128xf32, #tpu.memory_space<vmem>>) dst(%dma_wait3A_92 : memref<64x128xf32, #tpu.memory_space<hbm>>)
    %add3A_97 = arith.constant 25024 : i32
    %add3A_98 = arith.addi %mul3A_2, %add3A_97 : i32
    %dma_wait3A_99 = arith.constant 1 : i32
    %dma_wait3A_100 = arith.constant 0 : i32
    %dma_wait3A_101 = arith.constant 0 : i32
    %dma_wait3A_102 = tpu.memref_slice %arg6[%dma_wait3A_99, %dma_wait3A_100, %dma_wait3A_101] : memref<10x64x128xf32, #tpu.memory_space<vmem>> -> memref<1x64x128xf32, #tpu.memory_space<vmem>>
    %dma_wait3A_103 = tpu.memref_squeeze %dma_wait3A_102 : memref<1x64x128xf32, #tpu.memory_space<vmem>> -> memref<64x128xf32, #tpu.memory_space<vmem>>
    %dma_wait3A_104 = arith.constant 0 : i32
    %dma_wait3A_105 = tpu.memref_slice %arg4[%add3A_98, %dma_wait3A_104] : memref<819200x128xf32, #tpu.memory_space<hbm>> -> memref<64x128xf32, #tpu.memory_space<hbm>>
    %dma_wait3A_106 = arith.constant 0 : i32
    %dma_wait3A_107 = tpu.memref_slice %arg4[%add3A_98, %dma_wait3A_106] : memref<819200x128xf32, #tpu.memory_space<hbm>> -> memref<64x128xf32, #tpu.memory_space<hbm>>
    %dma_wait3A_108 = arith.constant 0 : i32
    %dma_wait3A_109 = arith.constant 0 : i32
    %dma_wait3A_110 = tpu.memref_slice %arg6[%dma_wait3A_99, %dma_wait3A_108, %dma_wait3A_109] : memref<10x64x128xf32, #tpu.memory_space<vmem>> -> memref<1x64x128xf32, #tpu.memory_space<vmem>>
    %dma_wait3A_111 = tpu.memref_squeeze %dma_wait3A_110 : memref<1x64x128xf32, #tpu.memory_space<vmem>> -> memref<64x128xf32, #tpu.memory_space<vmem>>
    tpu.wait_dma2 semaphore(%arg19 : memref<!tpu.dma_semaphore, #tpu.memory_space<semaphore_mem>>) src(%dma_wait3A_111 : memref<64x128xf32, #tpu.memory_space<vmem>>) dst(%dma_wait3A_107 : memref<64x128xf32, #tpu.memory_space<hbm>>)
    %add3A_112 = arith.constant 25088 : i32
    %add3A_113 = arith.addi %mul3A_2, %add3A_112 : i32
    %dma_wait3A_114 = arith.constant 2 : i32
    %dma_wait3A_115 = arith.constant 0 : i32
    %dma_wait3A_116 = arith.constant 0 : i32
    %dma_wait3A_117 = tpu.memref_slice %arg6[%dma_wait3A_114, %dma_wait3A_115, %dma_wait3A_116] : memref<10x64x128xf32, #tpu.memory_space<vmem>> -> memref<1x64x128xf32, #tpu.memory_space<vmem>>
    %dma_wait3A_118 = tpu.memref_squeeze %dma_wait3A_117 : memref<1x64x128xf32, #tpu.memory_space<vmem>> -> memref<64x128xf32, #tpu.memory_space<vmem>>
    %dma_wait3A_119 = arith.constant 0 : i32
    %dma_wait3A_120 = tpu.memref_slice %arg4[%add3A_113, %dma_wait3A_119] : memref<819200x128xf32, #tpu.memory_space<hbm>> -> memref<64x128xf32, #tpu.memory_space<hbm>>
    %dma_wait3A_121 = arith.constant 0 : i32
    %dma_wait3A_122 = tpu.memref_slice %arg4[%add3A_113, %dma_wait3A_121] : memref<819200x128xf32, #tpu.memory_space<hbm>> -> memref<64x128xf32, #tpu.memory_space<hbm>>
    %dma_wait3A_123 = arith.constant 0 : i32
    %dma_wait3A_124 = arith.constant 0 : i32
    %dma_wait3A_125 = tpu.memref_slice %arg6[%dma_wait3A_114, %dma_wait3A_123, %dma_wait3A_124] : memref<10x64x128xf32, #tpu.memory_space<vmem>> -> memref<1x64x128xf32, #tpu.memory_space<vmem>>
    %dma_wait3A_126 = tpu.memref_squeeze %dma_wait3A_125 : memref<1x64x128xf32, #tpu.memory_space<vmem>> -> memref<64x128xf32, #tpu.memory_space<vmem>>
    tpu.wait_dma2 semaphore(%arg20 : memref<!tpu.dma_semaphore, #tpu.memory_space<semaphore_mem>>) src(%dma_wait3A_126 : memref<64x128xf32, #tpu.memory_space<vmem>>) dst(%dma_wait3A_122 : memref<64x128xf32, #tpu.memory_space<hbm>>)
    %add3A_127 = arith.constant 25152 : i32
    %add3A_128 = arith.addi %mul3A_2, %add3A_127 : i32
    %dma_wait3A_129 = arith.constant 3 : i32
    %dma_wait3A_130 = arith.constant 0 : i32
    %dma_wait3A_131 = arith.constant 0 : i32
    %dma_wait3A_132 = tpu.memref_slice %arg6[%dma_wait3A_129, %dma_wait3A_130, %dma_wait3A_131] : memref<10x64x128xf32, #tpu.memory_space<vmem>> -> memref<1x64x128xf32, #tpu.memory_space<vmem>>
    %dma_wait3A_133 = tpu.memref_squeeze %dma_wait3A_132 : memref<1x64x128xf32, #tpu.memory_space<vmem>> -> memref<64x128xf32, #tpu.memory_space<vmem>>
    %dma_wait3A_134 = arith.constant 0 : i32
    %dma_wait3A_135 = tpu.memref_slice %arg4[%add3A_128, %dma_wait3A_134] : memref<819200x128xf32, #tpu.memory_space<hbm>> -> memref<64x128xf32, #tpu.memory_space<hbm>>
    %dma_wait3A_136 = arith.constant 0 : i32
    %dma_wait3A_137 = tpu.memref_slice %arg4[%add3A_128, %dma_wait3A_136] : memref<819200x128xf32, #tpu.memory_space<hbm>> -> memref<64x128xf32, #tpu.memory_space<hbm>>
    %dma_wait3A_138 = arith.constant 0 : i32
    %dma_wait3A_139 = arith.constant 0 : i32
    %dma_wait3A_140 = tpu.memref_slice %arg6[%dma_wait3A_129, %dma_wait3A_138, %dma_wait3A_139] : memref<10x64x128xf32, #tpu.memory_space<vmem>> -> memref<1x64x128xf32, #tpu.memory_space<vmem>>
    %dma_wait3A_141 = tpu.memref_squeeze %dma_wait3A_140 : memref<1x64x128xf32, #tpu.memory_space<vmem>> -> memref<64x128xf32, #tpu.memory_space<vmem>>
    tpu.wait_dma2 semaphore(%arg21 : memref<!tpu.dma_semaphore, #tpu.memory_space<semaphore_mem>>) src(%dma_wait3A_141 : memref<64x128xf32, #tpu.memory_space<vmem>>) dst(%dma_wait3A_137 : memref<64x128xf32, #tpu.memory_space<hbm>>)
    %add3A_142 = arith.constant 25216 : i32
    %add3A_143 = arith.addi %mul3A_2, %add3A_142 : i32
    %dma_wait3A_144 = arith.constant 4 : i32
    %dma_wait3A_145 = arith.constant 0 : i32
    %dma_wait3A_146 = arith.constant 0 : i32
    %dma_wait3A_147 = tpu.memref_slice %arg6[%dma_wait3A_144, %dma_wait3A_145, %dma_wait3A_146] : memref<10x64x128xf32, #tpu.memory_space<vmem>> -> memref<1x64x128xf32, #tpu.memory_space<vmem>>
    %dma_wait3A_148 = tpu.memref_squeeze %dma_wait3A_147 : memref<1x64x128xf32, #tpu.memory_space<vmem>> -> memref<64x128xf32, #tpu.memory_space<vmem>>
    %dma_wait3A_149 = arith.constant 0 : i32
    %dma_wait3A_150 = tpu.memref_slice %arg4[%add3A_143, %dma_wait3A_149] : memref<819200x128xf32, #tpu.memory_space<hbm>> -> memref<64x128xf32, #tpu.memory_space<hbm>>
    %dma_wait3A_151 = arith.constant 0 : i32
    %dma_wait3A_152 = tpu.memref_slice %arg4[%add3A_143, %dma_wait3A_151] : memref<819200x128xf32, #tpu.memory_space<hbm>> -> memref<64x128xf32, #tpu.memory_space<hbm>>
    %dma_wait3A_153 = arith.constant 0 : i32
    %dma_wait3A_154 = arith.constant 0 : i32
    %dma_wait3A_155 = tpu.memref_slice %arg6[%dma_wait3A_144, %dma_wait3A_153, %dma_wait3A_154] : memref<10x64x128xf32, #tpu.memory_space<vmem>> -> memref<1x64x128xf32, #tpu.memory_space<vmem>>
    %dma_wait3A_156 = tpu.memref_squeeze %dma_wait3A_155 : memref<1x64x128xf32, #tpu.memory_space<vmem>> -> memref<64x128xf32, #tpu.memory_space<vmem>>
    tpu.wait_dma2 semaphore(%arg22 : memref<!tpu.dma_semaphore, #tpu.memory_space<semaphore_mem>>) src(%dma_wait3A_156 : memref<64x128xf32, #tpu.memory_space<vmem>>) dst(%dma_wait3A_152 : memref<64x128xf32, #tpu.memory_space<hbm>>)
    %add3A_157 = arith.constant 25280 : i32
    %add3A_158 = arith.addi %mul3A_2, %add3A_157 : i32
    %dma_wait3A_159 = arith.constant 5 : i32
    %dma_wait3A_160 = arith.constant 0 : i32
    %dma_wait3A_161 = arith.constant 0 : i32
    %dma_wait3A_162 = tpu.memref_slice %arg6[%dma_wait3A_159, %dma_wait3A_160, %dma_wait3A_161] : memref<10x64x128xf32, #tpu.memory_space<vmem>> -> memref<1x64x128xf32, #tpu.memory_space<vmem>>
    %dma_wait3A_163 = tpu.memref_squeeze %dma_wait3A_162 : memref<1x64x128xf32, #tpu.memory_space<vmem>> -> memref<64x128xf32, #tpu.memory_space<vmem>>
    %dma_wait3A_164 = arith.constant 0 : i32
    %dma_wait3A_165 = tpu.memref_slice %arg4[%add3A_158, %dma_wait3A_164] : memref<819200x128xf32, #tpu.memory_space<hbm>> -> memref<64x128xf32, #tpu.memory_space<hbm>>
    %dma_wait3A_166 = arith.constant 0 : i32
    %dma_wait3A_167 = tpu.memref_slice %arg4[%add3A_158, %dma_wait3A_166] : memref<819200x128xf32, #tpu.memory_space<hbm>> -> memref<64x128xf32, #tpu.memory_space<hbm>>
    %dma_wait3A_168 = arith.constant 0 : i32
    %dma_wait3A_169 = arith.constant 0 : i32
    %dma_wait3A_170 = tpu.memref_slice %arg6[%dma_wait3A_159, %dma_wait3A_168, %dma_wait3A_169] : memref<10x64x128xf32, #tpu.memory_space<vmem>> -> memref<1x64x128xf32, #tpu.memory_space<vmem>>
    %dma_wait3A_171 = tpu.memref_squeeze %dma_wait3A_170 : memref<1x64x128xf32, #tpu.memory_space<vmem>> -> memref<64x128xf32, #tpu.memory_space<vmem>>
    tpu.wait_dma2 semaphore(%arg23 : memref<!tpu.dma_semaphore, #tpu.memory_space<semaphore_mem>>) src(%dma_wait3A_171 : memref<64x128xf32, #tpu.memory_space<vmem>>) dst(%dma_wait3A_167 : memref<64x128xf32, #tpu.memory_space<hbm>>)
    %add3A_172 = arith.constant 25344 : i32
    %add3A_173 = arith.addi %mul3A_2, %add3A_172 : i32
    %dma_wait3A_174 = arith.constant 6 : i32
    %dma_wait3A_175 = arith.constant 0 : i32
    %dma_wait3A_176 = arith.constant 0 : i32
    %dma_wait3A_177 = tpu.memref_slice %arg6[%dma_wait3A_174, %dma_wait3A_175, %dma_wait3A_176] : memref<10x64x128xf32, #tpu.memory_space<vmem>> -> memref<1x64x128xf32, #tpu.memory_space<vmem>>
    %dma_wait3A_178 = tpu.memref_squeeze %dma_wait3A_177 : memref<1x64x128xf32, #tpu.memory_space<vmem>> -> memref<64x128xf32, #tpu.memory_space<vmem>>
    %dma_wait3A_179 = arith.constant 0 : i32
    %dma_wait3A_180 = tpu.memref_slice %arg4[%add3A_173, %dma_wait3A_179] : memref<819200x128xf32, #tpu.memory_space<hbm>> -> memref<64x128xf32, #tpu.memory_space<hbm>>
    %dma_wait3A_181 = arith.constant 0 : i32
    %dma_wait3A_182 = tpu.memref_slice %arg4[%add3A_173, %dma_wait3A_181] : memref<819200x128xf32, #tpu.memory_space<hbm>> -> memref<64x128xf32, #tpu.memory_space<hbm>>
    %dma_wait3A_183 = arith.constant 0 : i32
    %dma_wait3A_184 = arith.constant 0 : i32
    %dma_wait3A_185 = tpu.memref_slice %arg6[%dma_wait3A_174, %dma_wait3A_183, %dma_wait3A_184] : memref<10x64x128xf32, #tpu.memory_space<vmem>> -> memref<1x64x128xf32, #tpu.memory_space<vmem>>
    %dma_wait3A_186 = tpu.memref_squeeze %dma_wait3A_185 : memref<1x64x128xf32, #tpu.memory_space<vmem>> -> memref<64x128xf32, #tpu.memory_space<vmem>>
    tpu.wait_dma2 semaphore(%arg24 : memref<!tpu.dma_semaphore, #tpu.memory_space<semaphore_mem>>) src(%dma_wait3A_186 : memref<64x128xf32, #tpu.memory_space<vmem>>) dst(%dma_wait3A_182 : memref<64x128xf32, #tpu.memory_space<hbm>>)
    %add3A_187 = arith.constant 25408 : i32
    %add3A_188 = arith.addi %mul3A_2, %add3A_187 : i32
    %dma_wait3A_189 = arith.constant 7 : i32
    %dma_wait3A_190 = arith.constant 0 : i32
    %dma_wait3A_191 = arith.constant 0 : i32
    %dma_wait3A_192 = tpu.memref_slice %arg6[%dma_wait3A_189, %dma_wait3A_190, %dma_wait3A_191] : memref<10x64x128xf32, #tpu.memory_space<vmem>> -> memref<1x64x128xf32, #tpu.memory_space<vmem>>
    %dma_wait3A_193 = tpu.memref_squeeze %dma_wait3A_192 : memref<1x64x128xf32, #tpu.memory_space<vmem>> -> memref<64x128xf32, #tpu.memory_space<vmem>>
    %dma_wait3A_194 = arith.constant 0 : i32
    %dma_wait3A_195 = tpu.memref_slice %arg4[%add3A_188, %dma_wait3A_194] : memref<819200x128xf32, #tpu.memory_space<hbm>> -> memref<64x128xf32, #tpu.memory_space<hbm>>
    %dma_wait3A_196 = arith.constant 0 : i32
    %dma_wait3A_197 = tpu.memref_slice %arg4[%add3A_188, %dma_wait3A_196] : memref<819200x128xf32, #tpu.memory_space<hbm>> -> memref<64x128xf32, #tpu.memory_space<hbm>>
    %dma_wait3A_198 = arith.constant 0 : i32
    %dma_wait3A_199 = arith.constant 0 : i32
    %dma_wait3A_200 = tpu.memref_slice %arg6[%dma_wait3A_189, %dma_wait3A_198, %dma_wait3A_199] : memref<10x64x128xf32, #tpu.memory_space<vmem>> -> memref<1x64x128xf32, #tpu.memory_space<vmem>>
    %dma_wait3A_201 = tpu.memref_squeeze %dma_wait3A_200 : memref<1x64x128xf32, #tpu.memory_space<vmem>> -> memref<64x128xf32, #tpu.memory_space<vmem>>
    tpu.wait_dma2 semaphore(%arg25 : memref<!tpu.dma_semaphore, #tpu.memory_space<semaphore_mem>>) src(%dma_wait3A_201 : memref<64x128xf32, #tpu.memory_space<vmem>>) dst(%dma_wait3A_197 : memref<64x128xf32, #tpu.memory_space<hbm>>)
    %add3A_202 = arith.constant 25472 : i32
    %add3A_203 = arith.addi %mul3A_2, %add3A_202 : i32
    %dma_wait3A_204 = arith.constant 8 : i32
    %dma_wait3A_205 = arith.constant 0 : i32
    %dma_wait3A_206 = arith.constant 0 : i32
    %dma_wait3A_207 = tpu.memref_slice %arg6[%dma_wait3A_204, %dma_wait3A_205, %dma_wait3A_206] : memref<10x64x128xf32, #tpu.memory_space<vmem>> -> memref<1x64x128xf32, #tpu.memory_space<vmem>>
    %dma_wait3A_208 = tpu.memref_squeeze %dma_wait3A_207 : memref<1x64x128xf32, #tpu.memory_space<vmem>> -> memref<64x128xf32, #tpu.memory_space<vmem>>
    %dma_wait3A_209 = arith.constant 0 : i32
    %dma_wait3A_210 = tpu.memref_slice %arg4[%add3A_203, %dma_wait3A_209] : memref<819200x128xf32, #tpu.memory_space<hbm>> -> memref<64x128xf32, #tpu.memory_space<hbm>>
    %dma_wait3A_211 = arith.constant 0 : i32
    %dma_wait3A_212 = tpu.memref_slice %arg4[%add3A_203, %dma_wait3A_211] : memref<819200x128xf32, #tpu.memory_space<hbm>> -> memref<64x128xf32, #tpu.memory_space<hbm>>
    %dma_wait3A_213 = arith.constant 0 : i32
    %dma_wait3A_214 = arith.constant 0 : i32
    %dma_wait3A_215 = tpu.memref_slice %arg6[%dma_wait3A_204, %dma_wait3A_213, %dma_wait3A_214] : memref<10x64x128xf32, #tpu.memory_space<vmem>> -> memref<1x64x128xf32, #tpu.memory_space<vmem>>
    %dma_wait3A_216 = tpu.memref_squeeze %dma_wait3A_215 : memref<1x64x128xf32, #tpu.memory_space<vmem>> -> memref<64x128xf32, #tpu.memory_space<vmem>>
    tpu.wait_dma2 semaphore(%arg26 : memref<!tpu.dma_semaphore, #tpu.memory_space<semaphore_mem>>) src(%dma_wait3A_216 : memref<64x128xf32, #tpu.memory_space<vmem>>) dst(%dma_wait3A_212 : memref<64x128xf32, #tpu.memory_space<hbm>>)
    %add3A_217 = arith.constant 25536 : i32
    %add3A_218 = arith.addi %mul3A_2, %add3A_217 : i32
    %dma_wait3A_219 = arith.constant 9 : i32
    %dma_wait3A_220 = arith.constant 0 : i32
    %dma_wait3A_221 = arith.constant 0 : i32
    %dma_wait3A_222 = tpu.memref_slice %arg6[%dma_wait3A_219, %dma_wait3A_220, %dma_wait3A_221] : memref<10x64x128xf32, #tpu.memory_space<vmem>> -> memref<1x64x128xf32, #tpu.memory_space<vmem>>
    %dma_wait3A_223 = tpu.memref_squeeze %dma_wait3A_222 : memref<1x64x128xf32, #tpu.memory_space<vmem>> -> memref<64x128xf32, #tpu.memory_space<vmem>>
    %dma_wait3A_224 = arith.constant 0 : i32
    %dma_wait3A_225 = tpu.memref_slice %arg4[%add3A_218, %dma_wait3A_224] : memref<819200x128xf32, #tpu.memory_space<hbm>> -> memref<64x128xf32, #tpu.memory_space<hbm>>
    %dma_wait3A_226 = arith.constant 0 : i32
    %dma_wait3A_227 = tpu.memref_slice %arg4[%add3A_218, %dma_wait3A_226] : memref<819200x128xf32, #tpu.memory_space<hbm>> -> memref<64x128xf32, #tpu.memory_space<hbm>>
    %dma_wait3A_228 = arith.constant 0 : i32
    %dma_wait3A_229 = arith.constant 0 : i32
    %dma_wait3A_230 = tpu.memref_slice %arg6[%dma_wait3A_219, %dma_wait3A_228, %dma_wait3A_229] : memref<10x64x128xf32, #tpu.memory_space<vmem>> -> memref<1x64x128xf32, #tpu.memory_space<vmem>>
    %dma_wait3A_231 = tpu.memref_squeeze %dma_wait3A_230 : memref<1x64x128xf32, #tpu.memory_space<vmem>> -> memref<64x128xf32, #tpu.memory_space<vmem>>
    tpu.wait_dma2 semaphore(%arg27 : memref<!tpu.dma_semaphore, #tpu.memory_space<semaphore_mem>>) src(%dma_wait3A_231 : memref<64x128xf32, #tpu.memory_space<vmem>>) dst(%dma_wait3A_227 : memref<64x128xf32, #tpu.memory_space<hbm>>)
    return
  }
}

</mosaic_0001>

<sc_bundles>
// kernel: kernel.3.cloned.1.call-start
scs
__scs_entry_jumppad:
0x0: {  	(pc) =	sbr.rel $0x88, $3  }
0x1: {  	(tag) =	ssettag $0x0;
	lr =	simm.s32 $0x1  }
0x2: {  	[smem:$0x3F9F] =	sst lr;
	_ =	strace $0xD0000000  }
0x3: {  	_ = 	snop  }
0x4: {  	_ = 	snop  }
0x5: {  	_ = 	snop  }
0x6: {  	_ = 	snop  }
0x7: {  	_ = 	snop  }
__scs_overlays_trampoline_lowered:
0x8: {  	[smem:$0x3FAE] =	sst s0  }
0x9: {  	[smem:$0x3FAF] =	sst s1  }
0xa: {  	[smem:$0x3FB0] =	sst s2  }
0xb: {  	[smem:$0x3FB1] =	sst s3  }
0xc: {  	[smem:$0x3FB2] =	sst s4  }
0xd: {  	[smem:$0x3FB3] =	sst s5  }
0xe: {  	[smem:$0x3FB4] =	sst s6  }
0xf: {  	[smem:$0x3FB5] =	sst s7  }
0x10: {  	[smem:$0x3FB6] =	sst s8  }
0x11: {  	[smem:$0x3FB7] =	sst s9;
	s0 =	simm.s32 @!p0 $0x0  }
0x12: {  	s1 =	sld [smem:$0x3F9D];
	s0 =	simm.s32 @p0 $0x1  }
0x13: {  	[smem:$0x3FB8] =	sst s0;
	s0 =	simm.s32 @!p1 $0x0  }
0x14: {  	s2 =	sld [smem:$0x3F9C];
	s0 =	simm.s32 @p1 $0x1  }
0x15: {  	[smem:$0x3FB9] =	sst s0;
	s0 =	simm.s32 @!p2 $0x0  }
0x16: {  	s3 =	sld [smem:$0x3FDB];
	s0 =	simm.s32 @p2 $0x1  }
0x17: {  	s4 =	simm.s32 $0x1BF5;
	[smem:$0x3FBB] =	sst s0  }
0x18: {  	s0 =	sld [smem:$0x3F9E];
	_ =	swait.ge [sflag:s4], $0x0  }
0x19: {  	s7 =	sld [smem:$0x3F9F]  }
0x1a: {  	s8 =	sadd.s32 $0xFFFFE003, lr  }
0x1b: {  	s9 =	sadd.s32 $0xFFFFFEF7, lr;
	s5 =	simm.s32 $0xFFFFFFFF;
	p2 =	slt.u32 s8, $0xFFFFF086  }
0x1c: {  	p1 =	slt.u32 s9, $0xF7A;
	s5 =	simm.s32 @!p2 $0x0  }
0x1d: {  	s5 =	simm.s32 @p1 $0x1;
	p0 =	seq.s32 s7, s2  }
0x1e: {  	s7 =	smul.u32 @!p0 $0xF7A, s2;
	p2 =	seq.s32 @!p0 s5, $0x0  }
0x1f: {  	s9 =	smul.u32 $0xF7A, s1;
	s8 =	simm.s32 @!p0 $0x1BF5;
	p2 =	por !p2, p0  }
0x20: {  	[sflag:s8] =	ssyncset.s32 @!p0 $0xFFFFF086;
	s6 =	sadd.s32 @!p0 s3, s7;
	s7 =	simm.s32 @!p0 $0x108  }
0x21: {  	s3 =	sadd.s32 s3, s9;
	s6 =	sadd.s32 @!p0 $0x88, s6;
	s7 =	simm.s32 @p2 $0x1082  }
0x22: {  	[simem:s7], [sflag:s8] =	dma.local @!p0 [hbm:s6], $0xF7A  }
0x23: {  	s9 =	sor.u32 $0xD0000000, s2;
	s6 =	simm.s32 $0x108;
	_ =	swait.ge @!p0 [sflag:s8], $0x0  }
0x24: {  	s3 =	sadd.s32 $0x88, s3;
	s6 =	simm.s32 @!p1 $0x1082;
	[sflag:s4] =	ssyncset.s32 $0xFFFFF086  }
0x25: {  	[simem:s6], [sflag:s4] =	dma.local [hbm:s3], $0xF7A  }
0x26: {  	[smem:$0x3F9F] =	sst s1;
	(tag) =	ssettag s2;
	_ =	strace s9  }
0x27: {  	s1 =	sld [smem:$0x3FAF]  }
0x28: {  	s2 =	sld [smem:$0x3FB0]  }
0x29: {  	s4 =	sld [smem:$0x3FB2]  }
0x2a: {  	p0 =	seq.s32 s5, $0x0;
	s5 =	sld [smem:$0x3FB3]  }
0x2b: {  	s6 =	sld [smem:$0x3FB4]  }
0x2c: {  	s7 =	sld [smem:$0x3FB5]  }
0x2d: {  	s3 =	simm.s32 $0x108;
	s8 =	sld [smem:$0x3FB6]  }
0x2e: {  	s3 =	simm.s32 @!p0 $0x1082;
	s9 =	sld [smem:$0x3FB7]  }
0x2f: {  	lr =	sadd.s32 s0, s3;
	s0 =	sld [smem:$0x3FAE]  }
0x30: {  	s3 =	sld [smem:$0x3FB1]  }
0x31: {  	[smem:$0x3FBA] =	sst s10  }
0x32: {  	s10 =	sld [smem:$0x3FB8];
	_ =	sdelay $0x3  }
0x33: {  	p0 =	seq.s32 s10, $0x1;
	s10 =	sld [smem:$0x3FBA];
	_ =	sdelay $0x3  }
0x34: {  	[smem:$0x3FBA] =	sst s10  }
0x35: {  	s10 =	sld [smem:$0x3FB9];
	_ =	sdelay $0x3  }
0x36: {  	p1 =	seq.s32 s10, $0x1;
	s10 =	sld [smem:$0x3FBA];
	_ =	sdelay $0x3  }
0x37: {  	[smem:$0x3FBA] =	sst s10  }
0x38: {  	s10 =	sld [smem:$0x3FBB]  }
0x39: {  	_ = 	snop;
	(pc) =	sbr.ind lr, $3  }
0x3a: {  	_ = 	snop  }
0x3b: {  	_ = 	snop  }
0x3c: {  	p2 =	seq.s32 s10, $0x1;
	s10 =	sld [smem:$0x3FBA]  }
0x3d: {  	_ =	shalt  }
0x3e: {  	_ =	shalt  }
0x3f: {  	_ =	shalt  }
0x40: {  	_ =	shalt  }
0x41: {  	_ =	shalt  }
0x42: {  	_ =	shalt  }
0x43: {  	_ =	shalt  }
0x44: {  	_ =	shalt  }
0x45: {  	_ =	shalt  }
0x46: {  	_ =	shalt  }
0x47: {  	_ =	shalt  }
0x48: {  	_ =	shalt  }
0x49: {  	_ =	shalt  }
0x4a: {  	_ =	shalt  }
0x4b: {  	_ =	shalt  }
0x4c: {  	_ =	shalt  }
0x4d: {  	_ =	shalt  }
0x4e: {  	_ =	shalt  }
0x4f: {  	_ =	shalt  }
0x50: {  	_ =	shalt  }
0x51: {  	_ =	shalt  }
0x52: {  	_ =	shalt  }
0x53: {  	_ =	shalt  }
0x54: {  	_ =	shalt  }
0x55: {  	_ =	shalt  }
0x56: {  	_ =	shalt  }
0x57: {  	_ =	shalt  }
0x58: {  	_ =	shalt  }
0x59: {  	_ =	shalt  }
0x5a: {  	_ =	shalt  }
0x5b: {  	_ =	shalt  }
0x5c: {  	_ =	shalt  }
0x5d: {  	_ =	shalt  }
0x5e: {  	_ =	shalt  }
0x5f: {  	_ =	shalt  }
0x60: {  	_ =	shalt  }
0x61: {  	_ =	shalt  }
0x62: {  	_ =	shalt  }
0x63: {  	_ =	shalt  }
0x64: {  	_ =	shalt  }
0x65: {  	_ =	shalt  }
0x66: {  	_ =	shalt  }
0x67: {  	_ =	shalt  }
0x68: {  	_ =	shalt  }
0x69: {  	_ =	shalt  }
0x6a: {  	_ =	shalt  }
0x6b: {  	_ =	shalt  }
0x6c: {  	_ =	shalt  }
0x6d: {  	_ =	shalt  }
0x6e: {  	_ =	shalt  }
0x6f: {  	_ =	shalt  }
0x70: {  	_ =	shalt  }
0x71: {  	_ =	shalt  }
0x72: {  	_ =	shalt  }
0x73: {  	_ =	shalt  }
0x74: {  	_ =	shalt  }
0x75: {  	_ =	shalt  }
0x76: {  	_ =	shalt  }
0x77: {  	_ =	shalt  }
0x78: {  	_ =	shalt  }
0x79: {  	_ =	shalt  }
0x7a: {  	_ =	shalt  }
0x7b: {  	_ =	shalt  }
0x7c: {  	_ =	shalt  }
0x7d: {  	_ =	shalt  }
0x7e: {  	_ =	shalt  }
0x7f: {  	_ =	shalt  }
0x80: {  	_ =	shalt  }
0x81: {  	_ =	shalt  }
0x82: {  	_ =	shalt  }
0x83: {  	_ =	shalt  }
0x84: {  	_ =	shalt  }
0x85: {  	_ =	shalt  }
0x86: {  	_ =	shalt  }
0x87: {  	_ =	shalt  }
.Lfunc_end0:
.L_simem_size_0:
called_computation_lowered:
.L_overlay_start_0:
0x88: {  	s2 =	sld [smem:$0x3FD9]  }
0x89: {  	s3 =	sld [smem:$0x3FFE];
	_ =	sdelay $0x1  }
0x8a: {  	s1 =	srdreg.scid  }
0x8b: {  	s0 =	sand.u32 $0x1, s1  }
0x8c: {  	s17 =	sshll.u32 s0, $0xA;
	s2 =	sadd.s32 s3, s2  }
0x8d: {  	s2 =	sadd.s32 s2, s17  }
0x8e: {  	[smem:$0x3FC6] =	sst s2  }
0x8f: {  	_ = 	snop  }
0x90: {  	s2 =	sld [smem:$0x3FC8]  }
0x91: {  	s18 =	sld [smem:$0x3FD0];
	(tm) =	ssettm $0x1  }
0x92: {  	s4 =	sld [smem:$0x3FFB];
	_ =	sdelay $0x3  }
0x93: {  	_ =	strace s4  }
0x94: {  	s4 =	sld [smem:$0x3FFC];
	_ =	sdelay $0x3  }
0x95: {  	_ =	strace s4  }
0x96: {  	s4 =	sld [smem:$0x3FFD];
	_ =	sdelay $0x3  }
0x97: {  	_ =	strace s4  }
0x98: {  	_ =	strace $0x8FFFFFFF  }
0x99: {  	s19 =	sld [smem:$0x3FDB];
	_ =	sdelay $0x1  }
0x9a: {  	s5 =	simm.s32 $_scs_section_size  }
0x9b: {  	s6 =	simm.s32 $_size__tile_overlayer_lowered;
	s7 =	simm.s32 $_tile_overlayer_lowered  }
0x9c: {  	s22 =	simm.s32 $0x1BFF;
	s21 =	sshll.u32 s7, $0x1;
	s4 =	sadd.s32 s5, s19  }
0x9d: {  	s8 =	simm.s32 $0x0;
	s20 =	sshll.u32 s6, $0x1;
	s6 =	sadd.s32 s21, s4  }
0x9e: {  	[timem:s8], [sflag:s22] =	dma.local [hbm:s6], s20  }
0x9f: {  	_ =	swait.ge [sflag:s22], s20  }
0xa0: {  	s5 =	ssub.s32 $0x0, s20;
	[sflag:s22] =	ssyncset.done $0x0  }
0xa1: {  	[sflag:s22] =	ssyncadd.s32 s5;
	_ =	sdelay $0x1  }
0xa2: {  	s23 =	simm.s32 $0x1B8B  }
0xa3: {  	_ =	swait.ge [sflag:s23], $0x1  }
0xa4: {  	[sflag:s23] =	ssyncset.done $0x0  }
0xa5: {  	s25 =	simm.s32 $0x1B8E;
	s24 =	sld [smem:$0x3FFE];
	[sflag:s23] =	ssyncadd.s32 $0xFFFFFFFF  }
0xa6: {  	s26 =	simm.s32 $execute0_lowered;
	[smem:$0x3FD2] =	sst s25  }
0xa7: {  	s6 =	sshll.u32 s26, $0x1;
	_ =	strace $0x80000046;
	[dreg:$0x1] =	wrdreg $0xFFFFFFFF  }
0xa8: {  	s28 =	simm.s32 $_size_execute0_lowered;
	s4 =	sadd.s32 s4, s6;
	[dreg:$0x0] =	wrdreg $0x0  }
0xa9: {  	s6 =	sshll.u32 s28, $0x1;
	[dreg:$0x2] =	wrdreg s4  }
0xaa: {  	[dreg:$0x3] =	wrdreg s6  }
0xab: {  	[dreg:$0x4] =	wrdreg $0xC0  }
0xac: {  	_ =	task [dreg:s8], $0x5FFFF  }
0xad: {  	[dreg:$0x1] =	wrdreg $0xFFFFFFFF  }
0xae: {  	[dreg:$0x0] =	wrdreg $0x60  }
0xaf: {  	[dreg:$0x2] =	wrdreg s24  }
0xb0: {  	[dreg:$0x3] =	wrdreg s2  }
0xb1: {  	[dreg:$0x4] =	wrdreg s18  }
0xb2: {  	[dreg:$0x5] =	wrdreg $0x1A4000  }
0xb3: {  	[dreg:$0x6] =	wrdreg $0x9  }
0xb4: {  	_ =	task.clear_ibuf [dreg:s8], $0x7FFFF;
	_ =	strace $0x90000046  }
0xb5: {  	s29 =	simm.s32 $0x9;
	_ =	strace $0x80000048  }
0xb6: {  	_ =	swait.ge [sflag:s29], $0x1  }
0xb7: {  	[sflag:s29] =	ssyncadd.s32 $0xFFFFFFFF  }
0xb8: {  	_ =	strace $0x90000048  }
0xb9: {  	_ =	sfence  }
0xba: {  	s30 =	sld [smem:$0x0];
	_ =	sdelay $0x2  }
0xbb: {  	s31 =	sshll.u32 s1, $0xD;
	s1 =	sshrl.u32 s1, $0x2  }
0xbc: {  	s3 =	sand.u32 $0x4000, s31;
	s1 =	sadd.s32 s1, s30  }
0xbd: {  	s0 =	sor.u32 s3, s0;
	s1 =	sshll.u32 s1, $0x11  }
0xbe: {  	s0 =	sor.u32 s1, s0  }
0xbf: {  	s0 =	sadd.s32 $0x8F2B, s0  }
0xc0: {  	[sflag:s0] =	ssyncadd.remote.s32 $0x1  }
0xc1: {  	_ =	sfence.sel $0xFFFF  }
0xc2: {  	[dreg:$0x0] =	wrdreg $0xFFFFFFFF;
	(pc) =	sbr.abs _section_cstart, $3  }
0xc3: {  	[dreg:$0x1] =	wrdreg $0xFFFFFFFF  }
0xc4: {  	_ =	task.clear_ibuf [dreg:s8], $0x2FFFF;
	_ =	strace $0x9FFFFFFF  }
0xc5: {  	(tm) =	ssettm $0x7FFFFFFF  }
tec
execute0_lowered:
.L_overlay_start_1:
0x0: {  	(tag) =	ssettag $0x1  }
0x1: {  	s0 =	rddreg [dreg:$0x0];
	s1 =	srdreg.scid  }
0x2: {  	s11 =	stileid.u32;
	s2 =	rddreg [dreg:$0x1]  }
0x3: {  	s12 =	rddreg [dreg:$0x2];
	s4 =	simm.s32 $0x0;
	s30 =	simm.s32 $0x1  }
0x4: {  	s28 =	simm.s32 $0x10;
	s1 =	sand.u32 $0x1, s1;
	s3 =	sshll.u32 s11, $0x1  }
0x5: {  	[smem:$0x7FF] =	sst s4;
	s31 =	sshll.u32 s11, $0xD;
	s9 =	smul.u32 $0x640000, s11  }
0x6: {  	s8 =	sshll.u32 s11, $0xA;
	s23 =	smul.u32 $0xC8000, s11;
	p0 =	seq.s32 s11, $0xF  }
0x7: {  	s5 =	sor.u32 s1, s3;
	s3 =	rddreg [dreg:$0x3];
	s10 =	smul.u32 $0x320000, s1  }
0x8: {  	s7 =	ssub.s32 $0x2, s1;
	_ =	strace $0x80000047;
	s1 =	smul.u32 $0x64000, s1  }
0x9: {  	s8 =	sadd.s32 s2, s8;
	s2 =	sadd.s32 $0x3C00, s2;
	s6 =	smul.u32 $0x6400, s5  }
0xa: {  	s29 =	sshrl.u32 s7, $0x1;
	s5 =	smul.u32 $0x320000, s5;
	[dreg:$0x5] =	wrdreg s8  }
0xb: {  	s8 =	sadd.s32 $0x1E000, s3;
	[dreg:$0x6] =	wrdreg s2;
	s2 =	simm.s32 $0x2  }
0xc: {  	s13 =	sadd.s32 s10, s9;
	s15 =	sadd.s32 s1, s23;
	s1 =	sshrl.u32 @p0 s8, $0x3  }
0xd: {  	s8 =	simm.s32 $0x4;
	s23 =	simm.s32 $0x8;
	s10 =	simm.s32 $0x0  }
0xe: {  	s6 =	sshrl.u32 s6, $0x3;
	s5 =	sshrl.u32 s5, $0x3;
	s18 =	sor.u32 $0xA000, s13  }
0xf: {  	s19 =	sor.u32 $0x8000, s13;
	s21 =	sor.u32 $0x6000, s13;
	s22 =	sor.u32 $0x4000, s13  }
0x10: {  	s24 =	sor.u32 $0x2000, s13;
	s25 =	sor.u32 $0x12000, s13;
	s26 =	sor.u32 $0x10000, s13  }
0x11: {  	[dreg:$0xe] =	wrdreg s1;
	s1 =	simm.s32 $0x12400;
	s0 =	sadd.s32 s6, s0  }
0x12: {  	s6 =	ssub.s32 s7, s29;
	s7 =	sadd.s32 s31, s3;
	s20 =	sshrl.u32 s19, $0x3  }
0x13: {  	s14 =	sshrl.u32 s24, $0x3;
	s16 =	sshrl.u32 s25, $0x3;
	s17 =	sshrl.u32 s26, $0x3  }
0x14: {  	s29 =	sor.u32 $0xE000, s13;
	s31 =	sor.u32 $0xC000, s13;
	s24 =	simm.s32 $0x40  }
0x15: {  	s25 =	simm.s32 $0x9;
	s0 =	sadd.s32 $0x400, s0;
	[dreg:$0xb] =	wrdreg s20  }
0x16: {  	s6 =	smax.u32 s6, $0x1;
	[dreg:$0x7] =	wrdreg s0;
	s0 =	sadd.s32 s12, s5  }
0x17: {  	s26 =	simm.s32 $0xA;
	[dreg:$0x8] =	wrdreg s6;
	s0 =	sadd.s32 $0x62C00, s0  }
0x18: {  	s19 =	sshrl.u32 s31, $0x3;
	[dreg:$0x9] =	wrdreg s0;
	s0 =	sshrl.u32 s18, $0x3  }
0x19: {  	s20 =	simm.s32 $0x18400;
	[dreg:$0xa] =	wrdreg s0;
	s0 =	sshrl.u32 s21, $0x3  }
.Ltmp0:
0x1a: {  	[dreg:$0xc] =	wrdreg s0;
	s0 =	sshrl.u32 s22, $0x3;
	(pc) =	sbr.rel .LBB2_1-.Ltmp0, $4  }
0x1b: {  	s5 =	simm.s32 $0x14400;
	[dreg:$0xd] =	wrdreg s0;
	s0 =	sshll.u32 @!p0 s11, $0x6  }
0x1c: {  	s6 =	simm.s32 $0x3;
	s18 =	sshrl.u32 s29, $0x3;
	s0 =	sor.u32 @!p0 $0x1C15, s0  }
0x1d: {  	s21 =	simm.s32 $0x5;
	[dreg:$0xf] =	wrdreg s0;
	s0 =	sshrl.u32 @!p0 s7, $0x3  }
0x1e: {  	s22 =	simm.s32 $0x7;
	s7 =	simm.s32 $0x16400;
	[dreg:$0x10] =	wrdreg s0  }
.LBB2_4:
0x1f: {  	s0 =	simm.s32 $0xB  }
0x20: {  	_ =	swait.ge [sflag:s0], $0x2000  }
0x21: {  	[sflag:s0] =	ssyncset.done $0x0  }
0x22: {  	s31 =	simm.s32 $0xC;
	[sflag:s0] =	ssyncadd.s32 $0xFFFFE000  }
0x23: {  	_ =	swait.ge [sflag:s31], $0x2000  }
0x24: {  	[sflag:s31] =	ssyncset.done $0x0  }
0x25: {  	s9 =	simm.s32 $0xD;
	[sflag:s31] =	ssyncadd.s32 $0xFFFFE000  }
0x26: {  	_ =	swait.ge [sflag:s9], $0x2000  }
0x27: {  	[sflag:s9] =	ssyncset.done $0x0  }
0x28: {  	s10 =	simm.s32 $0xE;
	[sflag:s9] =	ssyncadd.s32 $0xFFFFE000  }
0x29: {  	_ =	swait.ge [sflag:s10], $0x2000  }
0x2a: {  	[sflag:s10] =	ssyncset.done $0x0  }
0x2b: {  	s11 =	simm.s32 $0xF;
	[sflag:s10] =	ssyncadd.s32 $0xFFFFE000  }
0x2c: {  	_ =	swait.ge [sflag:s11], $0x2000  }
0x2d: {  	[sflag:s11] =	ssyncset.done $0x0  }
0x2e: {  	[sflag:s11] =	ssyncadd.s32 $0xFFFFE000  }
0x2f: {  	_ =	swait.ge [sflag:s28], $0x2000  }
0x30: {  	[sflag:s28] =	ssyncset.done $0x0  }
0x31: {  	s12 =	simm.s32 $0x11;
	[sflag:s28] =	ssyncadd.s32 $0xFFFFE000  }
0x32: {  	_ =	swait.ge [sflag:s12], $0x2000  }
0x33: {  	[sflag:s12] =	ssyncset.done $0x0  }
0x34: {  	s13 =	simm.s32 $0x12;
	[sflag:s12] =	ssyncadd.s32 $0xFFFFE000  }
0x35: {  	_ =	swait.ge [sflag:s13], $0x2000  }
0x36: {  	[sflag:s13] =	ssyncset.done $0x0  }
0x37: {  	s29 =	simm.s32 $0x13;
	[sflag:s13] =	ssyncadd.s32 $0xFFFFE000  }
0x38: {  	_ =	swait.ge [sflag:s29], $0x2000  }
0x39: {  	[sflag:s29] =	ssyncset.done $0x0  }
0x3a: {  	s9 =	simm.s32 $0x14;
	[sflag:s29] =	ssyncadd.s32 $0xFFFFE000  }
0x3b: {  	_ =	swait.ge [sflag:s9], $0x2000  }
0x3c: {  	s10 =	rddreg [dreg:$0x11]  }
0x3d: {  	s31 =	rddreg [dreg:$0x8];
	s10 =	sadd.s32 $0x1, s10  }
0x3e: {  	p1 =	sne.s32 s10, s31  }
.Ltmp1:
0x3f: {  	_ = 	snop;
	(pc) =	sbr.rel @!p1 .LBB2_5-.Ltmp1, $3  }
0x40: {  	_ =	sdelay $0x1  }
0x41: {  	[sflag:s9] =	ssyncset.done $0x0  }
0x42: {  	[sflag:s9] =	ssyncadd.s32 $0xFFFFE000  }
.LBB2_1:
0x43: {  	[dreg:$0x11] =	wrdreg s10  }
0x44: {  	s9 =	rddreg [dreg:$0x6]  }
0x45: {  	s0 =	simm.s32 @p0 $0x1FD5;
	s10 =	rddreg [dreg:$0xe]  }
0x46: {  	[spmem:s10], [sflag:s0] =	dma.local @p0 [hbm:s9], $0x280  }
0x47: {  	s0 =	rddreg [dreg:$0x5]  }
0x48: {  	s9 =	rddreg [dreg:$0xf]  }
0x49: {  	s10 =	rddreg [dreg:$0x10]  }
0x4a: {  	[spmem:s10], [sflag:s9] =	dma.local @!p0 [hbm:s0], $0x400  }
0x4b: {  	s12 =	simm.s32 $0x16;
	s0 =	rddreg [dreg:$0x7]  }
0x4c: {  	[tilespmem:s4], [sflag:$0x16] =	stream.linear.gather [hbm4b:s0+s4], $0x6400, $0x38;
	[tilespmem:$0x1C340] =	vst v63  }
0x4d: {  	_ =	swait.ge [sflag:s12], $0x6400  }
0x4e: {  	[sflag:s12] =	ssyncset.done $0x0  }
0x4f: {  	s0 =	simm.s32 @p0 $0x15;
	[sflag:s12] =	ssyncadd.s32 $0xFFFF9C00  }
0x50: {  	_ =	swait.ge @p0 [sflag:s0], $0x280  }
0x51: {  	[sflag:s0] =	ssyncset.done @p0 $0x0  }
0x52: {  	[sflag:s0] =	ssyncadd.s32 @p0 $0xFFFFFD80;
	s0 =	simm.s32 @!p0 $0x15  }
0x53: {  	_ =	swait.ge @!p0 [sflag:s0], $0x400  }
0x54: {  	[sflag:s0] =	ssyncset.done @!p0 $0x0  }
0x55: {  	[sflag:s0] =	ssyncadd.s32 @!p0 $0xFFFFFC00  }
0x56: {  	s13 =	simm.s32 $0x6400;
	[bflag:$0x0] =	sbarrier.arrive $0xFFFF  }
0x57: {  	[tilespmem:s13], [sflag:$0x1] =	stream.indirect.gather [spmem:s3], $0x80, s4, s24, $0xb8;
	[tilespmem:$0x1C340] =	vst v63  }
0x58: {  	s9 =	simm.s32 $0x8400  }
0x59: {  	[tilespmem:s9], [sflag:$0x2] =	stream.indirect.gather [spmem:s3], $0x80, s24, s24, $0xb8;
	[tilespmem:$0x1C340] =	vst v63  }
0x5a: {  	s11 =	simm.s32 $0xA400;
	s10 =	simm.s32 $0x80  }
0x5b: {  	[tilespmem:s11], [sflag:$0x3] =	stream.indirect.gather [spmem:s3], $0x80, s10, s24, $0xb8;
	[tilespmem:$0x1C340] =	vst v63  }
0x5c: {  	s12 =	simm.s32 $0xC0;
	s13 =	simm.s32 $0xC400  }
0x5d: {  	[tilespmem:s13], [sflag:$0x4] =	stream.indirect.gather [spmem:s3], $0x80, s12, s24, $0xb8;
	[tilespmem:$0x1C340] =	vst v63  }
0x5e: {  	s31 =	simm.s32 $0x0;
	s10 =	simm.s32 $0x100;
	s11 =	simm.s32 $0xE400  }
0x5f: {  	[tilespmem:s11], [sflag:$0x5] =	stream.indirect.gather [spmem:s3], $0x80, s10, s24, $0xb8;
	[tilespmem:$0x1C340] =	vst v63  }
0x60: {  	s29 =	rddreg [dreg:$0x2];
	s12 =	simm.s32 $0x140;
	s13 =	simm.s32 $0x10400  }
0x61: {  	[tilespmem:s13], [sflag:$0x6] =	stream.indirect.gather [spmem:s3], $0x80, s12, s24, $0xb8;
	[tilespmem:$0x1C340] =	vst v63  }
.LBB2_2:
0x62: {  	_ =	swait.ge [sflag:s30], $0x2000  }
0x63: {  	s0 =	sadd.s32 s29, s15;
	[sflag:s30] =	ssyncset.done $0x0  }
0x64: {  	s9 =	simm.s32 $0x6400;
	p1 =	seq.s32 s31, $0x0;
	[sflag:s30] =	ssyncadd.s32 $0xFFFFE000  }
0x65: {  	[hbm4b:s0+s4] =	stream.linear.scatter [tilespmem:s9], [sflag:$0xB], $0x2000, $0x38;
	[tilespmem:$0x1C340] =	vst v63  }
0x66: {  	s9 =	simm.s32 @!p1 $0x11  }
0x67: {  	_ =	swait.ge @!p1 [sflag:s9], $0x2000  }
0x68: {  	s0 =	sshra.s32 s31, $0x2;
	[sflag:s9] =	ssyncset.done @!p1 $0x0  }
0x69: {  	s12 =	sadd.s32 $0x180, s0;
	[sflag:s9] =	ssyncadd.s32 @!p1 $0xFFFFE000  }
0x6a: {  	[tilespmem:s1], [sflag:$0x7] =	stream.indirect.gather [spmem:s3], $0x80, s12, s24, $0xb8;
	[tilespmem:$0x1C340] =	vst v63  }
0x6b: {  	_ =	swait.ge [sflag:s2], $0x2000  }
0x6c: {  	s13 =	sadd.s32 s29, s14;
	[sflag:s2] =	ssyncset.done $0x0  }
0x6d: {  	s10 =	simm.s32 $0x8400;
	s9 =	simm.s32 @!p1 $0x12;
	[sflag:s2] =	ssyncadd.s32 $0xFFFFE000  }
0x6e: {  	[hbm4b:s13+s4] =	stream.linear.scatter [tilespmem:s10], [sflag:$0xC], $0x2000, $0x38;
	[tilespmem:$0x1C340] =	vst v63  }
0x6f: {  	_ =	swait.ge @!p1 [sflag:s9], $0x2000  }
0x70: {  	[sflag:s9] =	ssyncset.done @!p1 $0x0  }
0x71: {  	s11 =	sadd.s32 $0x1C0, s0;
	[sflag:s9] =	ssyncadd.s32 @!p1 $0xFFFFE000  }
0x72: {  	[tilespmem:s5], [sflag:$0x8] =	stream.indirect.gather [spmem:s3], $0x80, s11, s24, $0xb8;
	[tilespmem:$0x1C340] =	vst v63  }
0x73: {  	_ =	swait.ge [sflag:s6], $0x2000  }
0x74: {  	[sflag:s6] =	ssyncset.done $0x0;
	s12 =	rddreg [dreg:$0xd]  }
0x75: {  	s13 =	simm.s32 $0xA400;
	[sflag:s6] =	ssyncadd.s32 $0xFFFFE000;
	s9 =	sadd.s32 s29, s12  }
0x76: {  	[hbm4b:s9+s4] =	stream.linear.scatter [tilespmem:s13], [sflag:$0xD], $0x2000, $0x38;
	[tilespmem:$0x1C340] =	vst v63  }
0x77: {  	s9 =	simm.s32 @!p1 $0x13  }
0x78: {  	_ =	swait.ge @!p1 [sflag:s9], $0x2000  }
0x79: {  	[sflag:s9] =	ssyncset.done @!p1 $0x0  }
0x7a: {  	s10 =	sadd.s32 $0x200, s0;
	[sflag:s9] =	ssyncadd.s32 @!p1 $0xFFFFE000  }
0x7b: {  	[tilespmem:s7], [sflag:$0x9] =	stream.indirect.gather [spmem:s3], $0x80, s10, s24, $0xb8;
	[tilespmem:$0x1C340] =	vst v63  }
0x7c: {  	_ =	swait.ge [sflag:s8], $0x2000  }
0x7d: {  	[sflag:s8] =	ssyncset.done $0x0;
	s11 =	rddreg [dreg:$0xc]  }
0x7e: {  	s12 =	simm.s32 $0xC400;
	[sflag:s8] =	ssyncadd.s32 $0xFFFFE000;
	s9 =	sadd.s32 s29, s11  }
0x7f: {  	[hbm4b:s9+s4] =	stream.linear.scatter [tilespmem:s12], [sflag:$0xE], $0x2000, $0x38;
	[tilespmem:$0x1C340] =	vst v63  }
0x80: {  	s9 =	simm.s32 @!p1 $0x14  }
0x81: {  	_ =	swait.ge @!p1 [sflag:s9], $0x2000  }
0x82: {  	[sflag:s9] =	ssyncset.done @!p1 $0x0  }
0x83: {  	s13 =	sadd.s32 $0x240, s0;
	[sflag:s9] =	ssyncadd.s32 @!p1 $0xFFFFE000  }
0x84: {  	[tilespmem:s20], [sflag:$0xA] =	stream.indirect.gather [spmem:s3], $0x80, s13, s24, $0xb8;
	[tilespmem:$0x1C340] =	vst v63  }
0x85: {  	_ =	swait.ge [sflag:s21], $0x2000  }
0x86: {  	s11 =	simm.s32 $0xE400;
	[sflag:s21] =	ssyncset.done $0x0;
	s10 =	rddreg [dreg:$0xb]  }
0x87: {  	p1 =	seq.s32 s31, $0x18600;
	[sflag:s21] =	ssyncadd.s32 $0xFFFFE000;
	s9 =	sadd.s32 s29, s10  }
0x88: {  	[hbm4b:s9+s4] =	stream.linear.scatter [tilespmem:s11], [sflag:$0xF], $0x2000, $0x38;
	[tilespmem:$0x1C340] =	vst v63  }
0x89: {  	s9 =	simm.s32 @p1 $0x6  }
0x8a: {  	_ =	swait.ge @p1 [sflag:s9], $0x2000  }
0x8b: {  	s10 =	simm.s32 @p1 $0x10400;
	[sflag:s9] =	ssyncset.done @p1 $0x0  }
0x8c: {  	s11 =	rddreg [dreg:$0x9];
	[sflag:s9] =	ssyncadd.s32 @p1 $0xFFFFE000;
	s9 =	simm.s32 @p1 $0x0  }
0x8d: {  	[hbm4b:s11+s9] =	stream.linear.scatter @p1 [tilespmem:s10], [sflag:$0x10], $0x2000, $0x38;
	[tilespmem:$0x1C340] =	vst v63  }
0x8e: {  	s9 =	simm.s32 @!p1 $0xB  }
0x8f: {  	_ =	swait.ge @!p1 [sflag:s9], $0x2000  }
0x90: {  	[sflag:s9] =	ssyncset.done @!p1 $0x0  }
0x91: {  	[sflag:s9] =	ssyncadd.s32 @!p1 $0xFFFFE000;
	s9 =	sshra.s32 @!p1 s31, $0x2  }
0x92: {  	s12 =	simm.s32 @!p1 $0x6400;
	s11 =	simm.s32 @!p1 $0x40;
	s10 =	sadd.s32 @!p1 $0x280, s9  }
0x93: {  	[tilespmem:s12], [sflag:$0x1] =	stream.indirect.gather @!p1 [spmem:s3], $0x80, s10, s11, $0xb8;
	[tilespmem:$0x1C340] =	vst v63  }
0x94: {  	s10 =	simm.s32 @!p1 $0x6  }
0x95: {  	_ =	swait.ge @!p1 [sflag:s10], $0x2000  }
0x96: {  	[sflag:s10] =	ssyncset.done @!p1 $0x0  }
0x97: {  	[sflag:s10] =	ssyncadd.s32 @!p1 $0xFFFFE000;
	s10 =	rddreg [dreg:$0xa]  }
0x98: {  	s13 =	simm.s32 @!p1 $0x10400;
	s12 =	simm.s32 @!p1 $0x0;
	s10 =	sadd.s32 @!p1 s29, s10  }
0x99: {  	[hbm4b:s10+s12] =	stream.linear.scatter @!p1 [tilespmem:s13], [sflag:$0x10], $0x2000, $0x38;
	[tilespmem:$0x1C340] =	vst v63  }
0x9a: {  	s10 =	simm.s32 @!p1 $0xC  }
0x9b: {  	_ =	swait.ge @!p1 [sflag:s10], $0x2000  }
0x9c: {  	[sflag:s10] =	ssyncset.done @!p1 $0x0  }
0x9d: {  	s12 =	simm.s32 @!p1 $0x8400;
	[sflag:s10] =	ssyncadd.s32 @!p1 $0xFFFFE000;
	s10 =	sadd.s32 @!p1 $0x2C0, s9  }
0x9e: {  	[tilespmem:s12], [sflag:$0x2] =	stream.indirect.gather @!p1 [spmem:s3], $0x80, s10, s11, $0xb8;
	[tilespmem:$0x1C340] =	vst v63  }
0x9f: {  	_ =	swait.ge [sflag:s22], $0x2000  }
0xa0: {  	[sflag:s22] =	ssyncset.done $0x0  }
0xa1: {  	s12 =	sadd.s32 s29, s19;
	s10 =	simm.s32 @!p1 $0xD;
	[sflag:s22] =	ssyncadd.s32 $0xFFFFE000  }
0xa2: {  	[hbm4b:s12+s4] =	stream.linear.scatter [tilespmem:s1], [sflag:$0x11], $0x2000, $0x38;
	[tilespmem:$0x1C340] =	vst v63  }
0xa3: {  	_ =	swait.ge @!p1 [sflag:s10], $0x2000  }
0xa4: {  	[sflag:s10] =	ssyncset.done @!p1 $0x0  }
0xa5: {  	s12 =	simm.s32 @!p1 $0xA400;
	[sflag:s10] =	ssyncadd.s32 @!p1 $0xFFFFE000;
	s10 =	sadd.s32 @!p1 $0x300, s9  }
0xa6: {  	[tilespmem:s12], [sflag:$0x3] =	stream.indirect.gather @!p1 [spmem:s3], $0x80, s10, s11, $0xb8;
	[tilespmem:$0x1C340] =	vst v63  }
0xa7: {  	_ =	swait.ge [sflag:s23], $0x2000  }
0xa8: {  	[sflag:s23] =	ssyncset.done $0x0  }
0xa9: {  	s13 =	sadd.s32 s29, s18;
	s10 =	simm.s32 @!p1 $0xE;
	[sflag:s23] =	ssyncadd.s32 $0xFFFFE000  }
0xaa: {  	[hbm4b:s13+s4] =	stream.linear.scatter [tilespmem:s5], [sflag:$0x12], $0x2000, $0x38;
	[tilespmem:$0x1C340] =	vst v63  }
0xab: {  	_ =	swait.ge @!p1 [sflag:s10], $0x2000  }
0xac: {  	[sflag:s10] =	ssyncset.done @!p1 $0x0  }
0xad: {  	s12 =	simm.s32 @!p1 $0xC400;
	[sflag:s10] =	ssyncadd.s32 @!p1 $0xFFFFE000;
	s10 =	sadd.s32 @!p1 $0x340, s9  }
0xae: {  	[tilespmem:s12], [sflag:$0x4] =	stream.indirect.gather @!p1 [spmem:s3], $0x80, s10, s11, $0xb8;
	[tilespmem:$0x1C340] =	vst v63  }
0xaf: {  	_ =	swait.ge [sflag:s25], $0x2000  }
0xb0: {  	[sflag:s25] =	ssyncset.done $0x0  }
0xb1: {  	s12 =	sadd.s32 s29, s17;
	s10 =	simm.s32 @!p1 $0xF;
	[sflag:s25] =	ssyncadd.s32 $0xFFFFE000  }
0xb2: {  	[hbm4b:s12+s4] =	stream.linear.scatter [tilespmem:s7], [sflag:$0x13], $0x2000, $0x38;
	[tilespmem:$0x1C340] =	vst v63  }
0xb3: {  	_ =	swait.ge @!p1 [sflag:s10], $0x2000  }
0xb4: {  	[sflag:s10] =	ssyncset.done @!p1 $0x0  }
0xb5: {  	s9 =	sadd.s32 @!p1 $0x380, s9;
	[sflag:s10] =	ssyncadd.s32 @!p1 $0xFFFFE000;
	s10 =	simm.s32 @!p1 $0xE400  }
0xb6: {  	[tilespmem:s10], [sflag:$0x5] =	stream.indirect.gather @!p1 [spmem:s3], $0x80, s9, s11, $0xb8;
	[tilespmem:$0x1C340] =	vst v63  }
.Ltmp2:
0xb7: {  	_ = 	snop;
	(pc) =	sbr.rel @p1 .LBB2_4-.Ltmp2, $4  }
0xb8: {  	_ =	swait.ge [sflag:s26], $0x2000  }
0xb9: {  	[sflag:s26] =	ssyncset.done $0x0  }
0xba: {  	s13 =	sadd.s32 s29, s16;
	[sflag:s26] =	ssyncadd.s32 $0xFFFFE000  }
0xbb: {  	[hbm4b:s13+s4] =	stream.linear.scatter [tilespmem:s20], [sflag:$0x14], $0x2000, $0x38;
	[tilespmem:$0x1C340] =	vst v63  }
.Ltmp3:
0xbc: {  	(pc) =	sbr.rel .LBB2_2-.Ltmp3, $4  }
0xbd: {  	_ =	swait.ge [sflag:s28], $0x2000  }
0xbe: {  	s0 =	sadd.s32 $0x3C0, s0;
	s9 =	simm.s32 $0x10400;
	[sflag:s28] =	ssyncset.done $0x0  }
0xbf: {  	s31 =	sadd.s32 $0xA00, s31;
	s29 =	sadd.s32 $0x2800, s29;
	[sflag:s28] =	ssyncadd.s32 $0xFFFFE000  }
0xc0: {  	[tilespmem:s9], [sflag:$0x6] =	stream.indirect.gather [spmem:s3], $0x80, s0, s24, $0xb8;
	[tilespmem:$0x1C340] =	vst v63  }
.LBB2_5:
0xc1: {  	_ =	sfence.sel $0x180000  }
0xc2: {  	[bflag:$0x0] =	sbarrier.arrive $0xFFFF  }
0xc3: {  	_ =	strace $0x90000047  }
0xc4: {  	s0 =	stileid.u32;
	[bflag:$0x2] =	sbarrier.arrive $0xFFFF  }
0xc5: {  	p0 =	sne.s32 s0, $0x0;
	s0 =	rddreg [dreg:$0x4]  }
0xc6: {  	s0 =	sadd.s32 @!p0 $0x100000, s0  }
0xc7: {  	[sflag:s0] =	ssyncadd.tile.s32 @!p0 $0x1;
	_ =	shalt  }
.Lfunc_end2:
_tile_overlayer_lowered:
.L_overlay_start_2:
0xc8: {  	(tag) =	ssettag $0x2  }
0xc9: {  	s0 =	rddreg [dreg:$0x0];
	s2 =	stileid.u32  }
0xca: {  	s1 =	rddreg [dreg:$0x1];
	p0 =	sne.s32 s2, $0x0  }
0xcb: {  	s3 =	rddreg [dreg:$0x2];
	[bflag:$0x3] =	sbarrier.arrive $0xFFFF;
	s2 =	simm.s32 @!p0 $0x1C16  }
0xcc: {  	[timem:s3], [sflag:s2] =	dma.local @!p0 [hbm:s0], s1  }
0xcd: {  	s0 =	simm.s32 @!p0 $0x16  }
0xce: {  	_ =	swait.ge @!p0 [sflag:s0], s1  }
0xcf: {  	s1 =	ssub.s32 @!p0 $0x0, s1;
	[sflag:s0] =	ssyncset.done @!p0 $0x0  }
0xd0: {  	[sflag:s0] =	ssyncadd.s32 @!p0 s1  }
0xd1: {  	[bflag:$0x3] =	sbarrier.arrive $0xFFFF  }
0xd2: {  	_ =	shalt  }

</sc_bundles>
